<compile_context>
chip_gen: v7x
topology: tpu7x:2x2x1
jax: 0.10.2.dev20260603
libtpu: 0.0.44.dev20260713+nightly
codegen_flags: <defaults>
</compile_context>

<pallas_src>
import functools

import jax
import jax.numpy as jnp
from jax import lax
from jax.experimental import pallas as pl
from jax.experimental.pallas import tpu as pltpu
from jax.experimental.pallas import tpu_sc as plsc

ROW_BLK = 20480
SC_CORES = 2
SC_SUBCORES = 16
LANES = 16


def _bf16_bits(u):
    return (u + jnp.uint32(0x7FFF) + ((u >> 16) & jnp.uint32(1))) >> 16


def _table_mlp_body(emb_ref, w1_ref, b1_ref, w2_ref, b2_ref, w3_ref, b3_ref,
                    out_ref):
    h = jnp.tanh(
        jnp.dot(emb_ref[...], w1_ref[...], preferred_element_type=jnp.float32)
        + b1_ref[...])
    h = jnp.tanh(
        jnp.dot(h, w2_ref[...], preferred_element_type=jnp.float32)
        + b2_ref[...])
    st = lax.dot_general(w3_ref[...], h, (((0,), (1,)), ((), ())),
                         preferred_element_type=jnp.float32) + b3_ref[...]
    u = lax.bitcast_convert_type(st, jnp.uint32)
    r0 = _bf16_bits(u[0:1, :])
    r1 = _bf16_bits(u[1:2, :])
    packed = r0 | (r1 << 16)
    out_ref[...] = lax.bitcast_convert_type(packed, jnp.int32).reshape(
        packed.shape[1])


def _score_table(emb, W1, b1, W2, b2, W3, b3):
    V, E = emb.shape
    H = W1.shape[1]
    O = W3.shape[1]
    grid = (pl.cdiv(V, ROW_BLK),)
    return pl.pallas_call(
        _table_mlp_body,
        grid=grid,
        in_specs=[
            pl.BlockSpec((ROW_BLK, E), lambda i: (i, 0)),
            pl.BlockSpec((E, H), lambda i: (0, 0)),
            pl.BlockSpec((1, H), lambda i: (0, 0)),
            pl.BlockSpec((H, H), lambda i: (0, 0)),
            pl.BlockSpec((1, H), lambda i: (0, 0)),
            pl.BlockSpec((H, O), lambda i: (0, 0)),
            pl.BlockSpec((O, 1), lambda i: (0, 0)),
        ],
        out_specs=pl.BlockSpec((ROW_BLK,), lambda i: (i,)),
        out_shape=jax.ShapeDtypeStruct((V,), jnp.int32),
    )(emb, W1, b1, W2, b2, W3, b3)


def _sc_gather(table, idx, batch):
    n = idx.shape[0]
    v = table.shape[0]
    nw = SC_CORES * SC_SUBCORES
    per_worker = n // nw
    mesh = plsc.VectorSubcoreMesh(core_axis_name="core",
                                  subcore_axis_name="subcore")
    params = pltpu.CompilerParams(needs_layout_passes=False)

    b_per_w = batch // nw
    f_count = per_worker // b_per_w

    @functools.partial(
        pl.kernel,
        out_type=jax.ShapeDtypeStruct((n,), jnp.int32),
        mesh=mesh,
        compiler_params=params,
        scratch_types=[
            pltpu.VMEM((v,), jnp.int32),
            pltpu.VMEM((per_worker,), jnp.int32),
            pltpu.VMEM((per_worker,), jnp.int32),
            pltpu.SemaphoreType.DMA,
            pltpu.SemaphoreType.DMA,
        ])
    def gather_kernel(tab_hbm, i_hbm, o_hbm, tab_v, idx_v, out_v, tsem, sem):
        tab_cp = pltpu.make_async_copy(tab_hbm, tab_v, tsem)
        tab_cp.start()
        wid = lax.axis_index("core") * SC_SUBCORES + lax.axis_index("subcore")
        base0 = wid * per_worker
        pltpu.sync_copy(i_hbm.at[pl.ds(base0, per_worker)], idx_v)
        tab_cp.wait()
        lane_iota = lax.iota(jnp.int32, LANES)

        @pl.loop(0, per_worker, step=4 * LANES)
        def _(t):
            for j in range(4):
                o = t + j * LANES
                g16 = o + lane_iota
                idx16 = idx_v[pl.ds(o, LANES)]
                vals16 = plsc.load_gather(tab_v, [idx16])
                b16 = g16 // f_count
                f16 = g16 - b16 * f_count
                pos16 = f16 * b_per_w + b16
                plsc.store_scatter(out_v, [pos16], vals16)

        cps = []
        for f in range(f_count):
            cps.append(pltpu.make_async_copy(
                out_v.at[pl.ds(f * b_per_w, b_per_w)],
                o_hbm.at[pl.ds(f * batch + wid * b_per_w, b_per_w)],
                sem))
        for cp in cps:
            cp.start()
        for cp in cps:
            cp.wait()

    return gather_kernel(table, idx)


def kernel(x, emb, W1, b1, W2, b2, W3, b3):
    B_, F_ = x.shape
    H, O = W3.shape
    table = _score_table(emb, W1, b1.reshape(1, -1), W2, b2.reshape(1, -1),
                         W3, b3.reshape(-1, 1))
    idx = x.reshape(-1).astype(jnp.int32)
    packed = _sc_gather(table, idx, B_)
    pair = lax.bitcast_convert_type(packed, jnp.bfloat16)
    return pair.astype(jnp.float32).reshape(F_, B_, O).transpose(1, 0, 2)

# --- scband reference (transcript-rebuilt; emitter-appended) ---
"""Pipeline reference for scband-concrete-score-model-62843961475703 (READ-ONLY COPY).

The authoritative reference and input builder live on the scoring server;
editing this copy changes nothing except your own understanding.
"""

import jax, jax.numpy as jnp
import numpy as np

NUM_CATEGORIES = 100000
EMBED_DIM = 128
HIDDEN = 64
OUT = 2
B, F = 16384, 26


def setup_inputs(seed: int = 0) -> dict:
    key = jax.random.key(seed)
    k_idx, k_emb, k1, k2, k3 = jax.random.split(key, 5)
    x = jax.random.randint(k_idx, (B, F), 0, NUM_CATEGORIES, dtype=jnp.int64 if jax.config.jax_enable_x64 else jnp.int32)
    emb = jax.random.normal(k_emb, (NUM_CATEGORIES, EMBED_DIM), dtype=jnp.float32)
    s1 = 1.0 / np.sqrt(EMBED_DIM)
    s2 = 1.0 / np.sqrt(HIDDEN)
    W1 = jax.random.uniform(k1, (EMBED_DIM, HIDDEN), minval=-s1, maxval=s1, dtype=jnp.float32)
    b1 = jnp.zeros((HIDDEN,), dtype=jnp.float32)
    W2 = jax.random.uniform(k2, (HIDDEN, HIDDEN), minval=-s2, maxval=s2, dtype=jnp.float32)
    b2 = jnp.zeros((HIDDEN,), dtype=jnp.float32)
    W3 = jax.random.uniform(k3, (HIDDEN, OUT), minval=-s2, maxval=s2, dtype=jnp.float32)
    b3 = jnp.zeros((OUT,), dtype=jnp.float32)
    return {"x": x, "emb": emb, "W1": W1, "b1": b1, "W2": W2, "b2": b2, "W3": W3, "b3": b3}


def reference(x, emb, W1, b1, W2, b2, W3, b3):
    # embedding lookup (gather)
    h = jnp.take(emb, x, axis=0)  # [B, F, EMBED_DIM]
    h = jnp.tanh(h @ W1 + b1)
    h = jnp.tanh(h @ W2 + b2)
    scores = h @ W3 + b3  # [B, F, 2]
    return scores

if __name__ == "__main__":
    import jax
    _d = setup_inputs()
    print(jax.jit(kernel)(*tuple(_d.values())))

</pallas_src>

<mosaic_0001>
#map = affine_map<(d0, d1) -> (0)>
module attributes {stable_mosaic.version = 14 : i64} {
  func.func @gather_kernel(%arg0: i32, %arg1: i32, %arg2: memref<100000xi32, #tpu.memory_space<hbm>>, %arg3: memref<425984xi32, #tpu.memory_space<hbm>>, %arg4: memref<425984xi32, #tpu.memory_space<hbm>>, %arg5: memref<100000xi32, #tpu.memory_space<vmem>>, %arg6: memref<13312xi32, #tpu.memory_space<vmem>>, %arg7: memref<13312xi32, #tpu.memory_space<vmem>>, %arg8: memref<!tpu.dma_semaphore, #tpu.memory_space<semaphore_mem>>, %arg9: memref<!tpu.dma_semaphore, #tpu.memory_space<semaphore_mem>>) attributes {dimension_semantics = [#tpu.dimension_semantics<core_parallel>, #tpu.dimension_semantics<subcore_parallel>], iteration_bounds = array<i64: 2, 16>, scalar_prefetch = 0 : i64, scratch_operands = 5 : i64, tpu.core_type = #tpu.core_type<sc_vector_subcore>, window_params = [{transform_indices = #map}, {transform_indices = #map}, {transform_indices = #map}]} {
    tpu.enqueue_dma source(%arg2 : memref<100000xi32, #tpu.memory_space<hbm>>) target(%arg5 : memref<100000xi32, #tpu.memory_space<vmem>>) target_semaphore(%arg8 : memref<!tpu.dma_semaphore, #tpu.memory_space<semaphore_mem>>)
    %mul3A = arith.constant 16 : i32
    %mul3A_0 = arith.muli %arg0, %mul3A : i32
    %add3A = arith.addi %mul3A_0, %arg1 : i32
    %mul3A_1 = arith.constant 13312 : i32
    %mul3A_2 = arith.muli %add3A, %mul3A_1 : i32
    "tpu.region"() ({
      %run_scoped3A = tpu.sem_alloc : memref<!tpu.dma_semaphore, #tpu.memory_space<semaphore_mem>>
      %dma_start3A_421 = tpu.memref_slice %arg3[%mul3A_2] : memref<425984xi32, #tpu.memory_space<hbm>> -> memref<13312xi32, #tpu.memory_space<hbm>>
      %dma_start3A_422 = tpu.memref_slice %arg3[%mul3A_2] : memref<425984xi32, #tpu.memory_space<hbm>> -> memref<13312xi32, #tpu.memory_space<hbm>>
      tpu.enqueue_dma source(%dma_start3A_422 : memref<13312xi32, #tpu.memory_space<hbm>>) target(%arg6 : memref<13312xi32, #tpu.memory_space<vmem>>) target_semaphore(%run_scoped3A : memref<!tpu.dma_semaphore, #tpu.memory_space<semaphore_mem>>)
      %dma_wait3A_423 = tpu.memref_slice %arg3[%mul3A_2] : memref<425984xi32, #tpu.memory_space<hbm>> -> memref<13312xi32, #tpu.memory_space<hbm>>
      %dma_wait3A_424 = tpu.memref_slice %arg3[%mul3A_2] : memref<425984xi32, #tpu.memory_space<hbm>> -> memref<13312xi32, #tpu.memory_space<hbm>>
      tpu.wait_dma2 semaphore(%run_scoped3A : memref<!tpu.dma_semaphore, #tpu.memory_space<semaphore_mem>>) src(%dma_wait3A_424 : memref<13312xi32, #tpu.memory_space<hbm>>) dst(%arg6 : memref<13312xi32, #tpu.memory_space<vmem>>)
      tpu.yield
    }) : () -> ()
    tpu.wait_dma2 semaphore(%arg8 : memref<!tpu.dma_semaphore, #tpu.memory_space<semaphore_mem>>) src(%arg2 : memref<100000xi32, #tpu.memory_space<hbm>>) dst(%arg5 : memref<100000xi32, #tpu.memory_space<vmem>>)
    %iota3A = tpu.iota {dimensions = array<i32: 0>} : vector<16xi32>
    %scan3A = arith.constant 0 : i32
    %scan3A_3 = arith.constant 208 : i32
    %scan3A_4 = arith.addi %scan3A, %scan3A_3 : i32
    %scan3A_5 = arith.constant 1 : i32
    scf.for %scan3A_421 = %scan3A to %scan3A_4 step %scan3A_5  : i32 {
      %mul3A_422 = arith.constant 64 : i32
      %mul3A_423 = arith.muli %scan3A_421, %mul3A_422 : i32
      %add3A_424 = arith.constant 0 : i32
      %add3A_425 = arith.addi %add3A_424, %mul3A_423 : i32
      %add3A_426 = arith.constant 0 : i32
      %add3A_427 = arith.addi %add3A_425, %add3A_426 : i32
      %add3A_428 = vector.broadcast %add3A_427 : i32 to vector<16xi32>
      %add3A_429 = arith.addi %add3A_428, %iota3A : vector<16xi32>
      %get3A = arith.index_cast %add3A_427 : i32 to index
      %get3A_430 = tpu.vector_load %arg6[%get3A] {strides = array<i32>} : memref<13312xi32, #tpu.memory_space<vmem>>, vector<16xi32>,
      %gather3A = tpu.vector_load_idx %arg5[%get3A_430] : memref<100000xi32, #tpu.memory_space<vmem>>[vector<16xi32>], vector<16xi32>,
      %jit3A = arith.constant 26 : i32
      %div3A = vector.broadcast %jit3A : i32 to vector<16xi32>
      %div3A_431 = arith.divsi %add3A_429, %div3A : vector<16xi32>
      %sign3A = arith.constant 0 : i32
      %sign3A_432 = vector.broadcast %sign3A : i32 to vector<16xi32>
      %sign3A_433 = arith.cmpi sgt, %add3A_429, %sign3A_432 : vector<16xi32>
      %sign3A_434 = arith.extui %sign3A_433 : vector<16xi1> to vector<16xi32>
      %sign3A_435 = arith.constant 0 : i32
      %sign3A_436 = vector.broadcast %sign3A_435 : i32 to vector<16xi32>
      %sign3A_437 = arith.cmpi slt, %add3A_429, %sign3A_436 : vector<16xi32>
      %sign3A_438 = arith.extui %sign3A_437 : vector<16xi1> to vector<16xi32>
      %sign3A_439 = arith.subi %sign3A_434, %sign3A_438 : vector<16xi32>
      %sign3A_440 = arith.constant 0 : i32
      %sign3A_441 = arith.cmpi sgt, %jit3A, %sign3A_440 : i32
      %sign3A_442 = arith.extui %sign3A_441 : i1 to i32
      %sign3A_443 = arith.constant 0 : i32
      %sign3A_444 = arith.cmpi slt, %jit3A, %sign3A_443 : i32
      %sign3A_445 = arith.extui %sign3A_444 : i1 to i32
      %sign3A_446 = arith.subi %sign3A_442, %sign3A_445 : i32
      %ne3A = vector.broadcast %sign3A_446 : i32 to vector<16xi32>
      %ne3A_447 = arith.cmpi ne, %sign3A_439, %ne3A : vector<16xi32>
      %rem3A = vector.broadcast %jit3A : i32 to vector<16xi32>
      %rem3A_448 = arith.remsi %add3A_429, %rem3A : vector<16xi32>
      %ne3A_449 = arith.constant 0 : i32
      %ne3A_450 = vector.broadcast %ne3A_449 : i32 to vector<16xi32>
      %ne3A_451 = arith.cmpi ne, %rem3A_448, %ne3A_450 : vector<16xi32>
      %and3A = arith.andi %ne3A_447, %ne3A_451 : vector<16xi1>
      %sub3A = arith.constant 1 : i32
      %sub3A_452 = vector.broadcast %sub3A : i32 to vector<16xi32>
      %sub3A_453 = arith.subi %div3A_431, %sub3A_452 : vector<16xi32>
      %select_n3A = arith.select %and3A, %sub3A_453, %div3A_431 : vector<16xi1>, vector<16xi32>
      %mul3A_454 = arith.constant 26 : i32
      %mul3A_455 = vector.broadcast %mul3A_454 : i32 to vector<16xi32>
      %mul3A_456 = arith.muli %select_n3A, %mul3A_455 : vector<16xi32>
      %sub3A_457 = arith.subi %add3A_429, %mul3A_456 : vector<16xi32>
      %mul3A_458 = arith.constant 512 : i32
      %mul3A_459 = vector.broadcast %mul3A_458 : i32 to vector<16xi32>
      %mul3A_460 = arith.muli %sub3A_457, %mul3A_459 : vector<16xi32>
      %add3A_461 = arith.addi %mul3A_460, %select_n3A : vector<16xi32>
      tpu.vector_store_idx %arg7[%add3A_461], %gather3A : memref<13312xi32, #tpu.memory_space<vmem>>[vector<16xi32>], vector<16xi32>,
      %add3A_462 = arith.constant 16 : i32
      %add3A_463 = arith.addi %add3A_425, %add3A_462 : i32
      %add3A_464 = vector.broadcast %add3A_463 : i32 to vector<16xi32>
      %add3A_465 = arith.addi %add3A_464, %iota3A : vector<16xi32>
      %get3A_466 = arith.index_cast %add3A_463 : i32 to index
      %get3A_467 = tpu.vector_load %arg6[%get3A_466] {strides = array<i32>} : memref<13312xi32, #tpu.memory_space<vmem>>, vector<16xi32>,
      %gather3A_468 = tpu.vector_load_idx %arg5[%get3A_467] : memref<100000xi32, #tpu.memory_space<vmem>>[vector<16xi32>], vector<16xi32>,
      %jit3A_469 = arith.constant 26 : i32
      %div3A_470 = vector.broadcast %jit3A_469 : i32 to vector<16xi32>
      %div3A_471 = arith.divsi %add3A_465, %div3A_470 : vector<16xi32>
      %sign3A_472 = arith.constant 0 : i32
      %sign3A_473 = vector.broadcast %sign3A_472 : i32 to vector<16xi32>
      %sign3A_474 = arith.cmpi sgt, %add3A_465, %sign3A_473 : vector<16xi32>
      %sign3A_475 = arith.extui %sign3A_474 : vector<16xi1> to vector<16xi32>
      %sign3A_476 = arith.constant 0 : i32
      %sign3A_477 = vector.broadcast %sign3A_476 : i32 to vector<16xi32>
      %sign3A_478 = arith.cmpi slt, %add3A_465, %sign3A_477 : vector<16xi32>
      %sign3A_479 = arith.extui %sign3A_478 : vector<16xi1> to vector<16xi32>
      %sign3A_480 = arith.subi %sign3A_475, %sign3A_479 : vector<16xi32>
      %sign3A_481 = arith.constant 0 : i32
      %sign3A_482 = arith.cmpi sgt, %jit3A_469, %sign3A_481 : i32
      %sign3A_483 = arith.extui %sign3A_482 : i1 to i32
      %sign3A_484 = arith.constant 0 : i32
      %sign3A_485 = arith.cmpi slt, %jit3A_469, %sign3A_484 : i32
      %sign3A_486 = arith.extui %sign3A_485 : i1 to i32
      %sign3A_487 = arith.subi %sign3A_483, %sign3A_486 : i32
      %ne3A_488 = vector.broadcast %sign3A_487 : i32 to vector<16xi32>
      %ne3A_489 = arith.cmpi ne, %sign3A_480, %ne3A_488 : vector<16xi32>
      %rem3A_490 = vector.broadcast %jit3A_469 : i32 to vector<16xi32>
      %rem3A_491 = arith.remsi %add3A_465, %rem3A_490 : vector<16xi32>
      %ne3A_492 = arith.constant 0 : i32
      %ne3A_493 = vector.broadcast %ne3A_492 : i32 to vector<16xi32>
      %ne3A_494 = arith.cmpi ne, %rem3A_491, %ne3A_493 : vector<16xi32>
      %and3A_495 = arith.andi %ne3A_489, %ne3A_494 : vector<16xi1>
      %sub3A_496 = arith.constant 1 : i32
      %sub3A_497 = vector.broadcast %sub3A_496 : i32 to vector<16xi32>
      %sub3A_498 = arith.subi %div3A_471, %sub3A_497 : vector<16xi32>
      %select_n3A_499 = arith.select %and3A_495, %sub3A_498, %div3A_471 : vector<16xi1>, vector<16xi32>
      %mul3A_500 = arith.constant 26 : i32
      %mul3A_501 = vector.broadcast %mul3A_500 : i32 to vector<16xi32>
      %mul3A_502 = arith.muli %select_n3A_499, %mul3A_501 : vector<16xi32>
      %sub3A_503 = arith.subi %add3A_465, %mul3A_502 : vector<16xi32>
      %mul3A_504 = arith.constant 512 : i32
      %mul3A_505 = vector.broadcast %mul3A_504 : i32 to vector<16xi32>
      %mul3A_506 = arith.muli %sub3A_503, %mul3A_505 : vector<16xi32>
      %add3A_507 = arith.addi %mul3A_506, %select_n3A_499 : vector<16xi32>
      tpu.vector_store_idx %arg7[%add3A_507], %gather3A_468 : memref<13312xi32, #tpu.memory_space<vmem>>[vector<16xi32>], vector<16xi32>,
      %add3A_508 = arith.constant 32 : i32
      %add3A_509 = arith.addi %add3A_425, %add3A_508 : i32
      %add3A_510 = vector.broadcast %add3A_509 : i32 to vector<16xi32>
      %add3A_511 = arith.addi %add3A_510, %iota3A : vector<16xi32>
      %get3A_512 = arith.index_cast %add3A_509 : i32 to index
      %get3A_513 = tpu.vector_load %arg6[%get3A_512] {strides = array<i32>} : memref<13312xi32, #tpu.memory_space<vmem>>, vector<16xi32>,
      %gather3A_514 = tpu.vector_load_idx %arg5[%get3A_513] : memref<100000xi32, #tpu.memory_space<vmem>>[vector<16xi32>], vector<16xi32>,
      %jit3A_515 = arith.constant 26 : i32
      %div3A_516 = vector.broadcast %jit3A_515 : i32 to vector<16xi32>
      %div3A_517 = arith.divsi %add3A_511, %div3A_516 : vector<16xi32>
      %sign3A_518 = arith.constant 0 : i32
      %sign3A_519 = vector.broadcast %sign3A_518 : i32 to vector<16xi32>
      %sign3A_520 = arith.cmpi sgt, %add3A_511, %sign3A_519 : vector<16xi32>
      %sign3A_521 = arith.extui %sign3A_520 : vector<16xi1> to vector<16xi32>
      %sign3A_522 = arith.constant 0 : i32
      %sign3A_523 = vector.broadcast %sign3A_522 : i32 to vector<16xi32>
      %sign3A_524 = arith.cmpi slt, %add3A_511, %sign3A_523 : vector<16xi32>
      %sign3A_525 = arith.extui %sign3A_524 : vector<16xi1> to vector<16xi32>
      %sign3A_526 = arith.subi %sign3A_521, %sign3A_525 : vector<16xi32>
      %sign3A_527 = arith.constant 0 : i32
      %sign3A_528 = arith.cmpi sgt, %jit3A_515, %sign3A_527 : i32
      %sign3A_529 = arith.extui %sign3A_528 : i1 to i32
      %sign3A_530 = arith.constant 0 : i32
      %sign3A_531 = arith.cmpi slt, %jit3A_515, %sign3A_530 : i32
      %sign3A_532 = arith.extui %sign3A_531 : i1 to i32
      %sign3A_533 = arith.subi %sign3A_529, %sign3A_532 : i32
      %ne3A_534 = vector.broadcast %sign3A_533 : i32 to vector<16xi32>
      %ne3A_535 = arith.cmpi ne, %sign3A_526, %ne3A_534 : vector<16xi32>
      %rem3A_536 = vector.broadcast %jit3A_515 : i32 to vector<16xi32>
      %rem3A_537 = arith.remsi %add3A_511, %rem3A_536 : vector<16xi32>
      %ne3A_538 = arith.constant 0 : i32
      %ne3A_539 = vector.broadcast %ne3A_538 : i32 to vector<16xi32>
      %ne3A_540 = arith.cmpi ne, %rem3A_537, %ne3A_539 : vector<16xi32>
      %and3A_541 = arith.andi %ne3A_535, %ne3A_540 : vector<16xi1>
      %sub3A_542 = arith.constant 1 : i32
      %sub3A_543 = vector.broadcast %sub3A_542 : i32 to vector<16xi32>
      %sub3A_544 = arith.subi %div3A_517, %sub3A_543 : vector<16xi32>
      %select_n3A_545 = arith.select %and3A_541, %sub3A_544, %div3A_517 : vector<16xi1>, vector<16xi32>
      %mul3A_546 = arith.constant 26 : i32
      %mul3A_547 = vector.broadcast %mul3A_546 : i32 to vector<16xi32>
      %mul3A_548 = arith.muli %select_n3A_545, %mul3A_547 : vector<16xi32>
      %sub3A_549 = arith.subi %add3A_511, %mul3A_548 : vector<16xi32>
      %mul3A_550 = arith.constant 512 : i32
      %mul3A_551 = vector.broadcast %mul3A_550 : i32 to vector<16xi32>
      %mul3A_552 = arith.muli %sub3A_549, %mul3A_551 : vector<16xi32>
      %add3A_553 = arith.addi %mul3A_552, %select_n3A_545 : vector<16xi32>
      tpu.vector_store_idx %arg7[%add3A_553], %gather3A_514 : memref<13312xi32, #tpu.memory_space<vmem>>[vector<16xi32>], vector<16xi32>,
      %add3A_554 = arith.constant 48 : i32
      %add3A_555 = arith.addi %add3A_425, %add3A_554 : i32
      %add3A_556 = vector.broadcast %add3A_555 : i32 to vector<16xi32>
      %add3A_557 = arith.addi %add3A_556, %iota3A : vector<16xi32>
      %get3A_558 = arith.index_cast %add3A_555 : i32 to index
      %get3A_559 = tpu.vector_load %arg6[%get3A_558] {strides = array<i32>} : memref<13312xi32, #tpu.memory_space<vmem>>, vector<16xi32>,
      %gather3A_560 = tpu.vector_load_idx %arg5[%get3A_559] : memref<100000xi32, #tpu.memory_space<vmem>>[vector<16xi32>], vector<16xi32>,
      %jit3A_561 = arith.constant 26 : i32
      %div3A_562 = vector.broadcast %jit3A_561 : i32 to vector<16xi32>
      %div3A_563 = arith.divsi %add3A_557, %div3A_562 : vector<16xi32>
      %sign3A_564 = arith.constant 0 : i32
      %sign3A_565 = vector.broadcast %sign3A_564 : i32 to vector<16xi32>
      %sign3A_566 = arith.cmpi sgt, %add3A_557, %sign3A_565 : vector<16xi32>
      %sign3A_567 = arith.extui %sign3A_566 : vector<16xi1> to vector<16xi32>
      %sign3A_568 = arith.constant 0 : i32
      %sign3A_569 = vector.broadcast %sign3A_568 : i32 to vector<16xi32>
      %sign3A_570 = arith.cmpi slt, %add3A_557, %sign3A_569 : vector<16xi32>
      %sign3A_571 = arith.extui %sign3A_570 : vector<16xi1> to vector<16xi32>
      %sign3A_572 = arith.subi %sign3A_567, %sign3A_571 : vector<16xi32>
      %sign3A_573 = arith.constant 0 : i32
      %sign3A_574 = arith.cmpi sgt, %jit3A_561, %sign3A_573 : i32
      %sign3A_575 = arith.extui %sign3A_574 : i1 to i32
      %sign3A_576 = arith.constant 0 : i32
      %sign3A_577 = arith.cmpi slt, %jit3A_561, %sign3A_576 : i32
      %sign3A_578 = arith.extui %sign3A_577 : i1 to i32
      %sign3A_579 = arith.subi %sign3A_575, %sign3A_578 : i32
      %ne3A_580 = vector.broadcast %sign3A_579 : i32 to vector<16xi32>
      %ne3A_581 = arith.cmpi ne, %sign3A_572, %ne3A_580 : vector<16xi32>
      %rem3A_582 = vector.broadcast %jit3A_561 : i32 to vector<16xi32>
      %rem3A_583 = arith.remsi %add3A_557, %rem3A_582 : vector<16xi32>
      %ne3A_584 = arith.constant 0 : i32
      %ne3A_585 = vector.broadcast %ne3A_584 : i32 to vector<16xi32>
      %ne3A_586 = arith.cmpi ne, %rem3A_583, %ne3A_585 : vector<16xi32>
      %and3A_587 = arith.andi %ne3A_581, %ne3A_586 : vector<16xi1>
      %sub3A_588 = arith.constant 1 : i32
      %sub3A_589 = vector.broadcast %sub3A_588 : i32 to vector<16xi32>
      %sub3A_590 = arith.subi %div3A_563, %sub3A_589 : vector<16xi32>
      %select_n3A_591 = arith.select %and3A_587, %sub3A_590, %div3A_563 : vector<16xi1>, vector<16xi32>
      %mul3A_592 = arith.constant 26 : i32
      %mul3A_593 = vector.broadcast %mul3A_592 : i32 to vector<16xi32>
      %mul3A_594 = arith.muli %select_n3A_591, %mul3A_593 : vector<16xi32>
      %sub3A_595 = arith.subi %add3A_557, %mul3A_594 : vector<16xi32>
      %mul3A_596 = arith.constant 512 : i32
      %mul3A_597 = vector.broadcast %mul3A_596 : i32 to vector<16xi32>
      %mul3A_598 = arith.muli %sub3A_595, %mul3A_597 : vector<16xi32>
      %add3A_599 = arith.addi %mul3A_598, %select_n3A_591 : vector<16xi32>
      tpu.vector_store_idx %arg7[%add3A_599], %gather3A_560 : memref<13312xi32, #tpu.memory_space<vmem>>[vector<16xi32>], vector<16xi32>,
    }
    %scan3A_6 = arith.constant 208 : i32
    %mul3A_7 = arith.constant 512 : i32
    %mul3A_8 = arith.muli %add3A, %mul3A_7 : i32
    %add3A_9 = arith.constant 0 : i32
    %add3A_10 = arith.addi %add3A_9, %mul3A_8 : i32
    %mul3A_11 = arith.constant 512 : i32
    %mul3A_12 = arith.muli %add3A, %mul3A_11 : i32
    %add3A_13 = arith.constant 16384 : i32
    %add3A_14 = arith.addi %add3A_13, %mul3A_12 : i32
    %mul3A_15 = arith.constant 512 : i32
    %mul3A_16 = arith.muli %add3A, %mul3A_15 : i32
    %add3A_17 = arith.constant 32768 : i32
    %add3A_18 = arith.addi %add3A_17, %mul3A_16 : i32
    %mul3A_19 = arith.constant 512 : i32
    %mul3A_20 = arith.muli %add3A, %mul3A_19 : i32
    %add3A_21 = arith.constant 49152 : i32
    %add3A_22 = arith.addi %add3A_21, %mul3A_20 : i32
    %mul3A_23 = arith.constant 512 : i32
    %mul3A_24 = arith.muli %add3A, %mul3A_23 : i32
    %add3A_25 = arith.constant 65536 : i32
    %add3A_26 = arith.addi %add3A_25, %mul3A_24 : i32
    %mul3A_27 = arith.constant 512 : i32
    %mul3A_28 = arith.muli %add3A, %mul3A_27 : i32
    %add3A_29 = arith.constant 81920 : i32
    %add3A_30 = arith.addi %add3A_29, %mul3A_28 : i32
    %mul3A_31 = arith.constant 512 : i32
    %mul3A_32 = arith.muli %add3A, %mul3A_31 : i32
    %add3A_33 = arith.constant 98304 : i32
    %add3A_34 = arith.addi %add3A_33, %mul3A_32 : i32
    %mul3A_35 = arith.constant 512 : i32
    %mul3A_36 = arith.muli %add3A, %mul3A_35 : i32
    %add3A_37 = arith.constant 114688 : i32
    %add3A_38 = arith.addi %add3A_37, %mul3A_36 : i32
    %mul3A_39 = arith.constant 512 : i32
    %mul3A_40 = arith.muli %add3A, %mul3A_39 : i32
    %add3A_41 = arith.constant 131072 : i32
    %add3A_42 = arith.addi %add3A_41, %mul3A_40 : i32
    %mul3A_43 = arith.constant 512 : i32
    %mul3A_44 = arith.muli %add3A, %mul3A_43 : i32
    %add3A_45 = arith.constant 147456 : i32
    %add3A_46 = arith.addi %add3A_45, %mul3A_44 : i32
    %mul3A_47 = arith.constant 512 : i32
    %mul3A_48 = arith.muli %add3A, %mul3A_47 : i32
    %add3A_49 = arith.constant 163840 : i32
    %add3A_50 = arith.addi %add3A_49, %mul3A_48 : i32
    %mul3A_51 = arith.constant 512 : i32
    %mul3A_52 = arith.muli %add3A, %mul3A_51 : i32
    %add3A_53 = arith.constant 180224 : i32
    %add3A_54 = arith.addi %add3A_53, %mul3A_52 : i32
    %mul3A_55 = arith.constant 512 : i32
    %mul3A_56 = arith.muli %add3A, %mul3A_55 : i32
    %add3A_57 = arith.constant 196608 : i32
    %add3A_58 = arith.addi %add3A_57, %mul3A_56 : i32
    %mul3A_59 = arith.constant 512 : i32
    %mul3A_60 = arith.muli %add3A, %mul3A_59 : i32
    %add3A_61 = arith.constant 212992 : i32
    %add3A_62 = arith.addi %add3A_61, %mul3A_60 : i32
    %mul3A_63 = arith.constant 512 : i32
    %mul3A_64 = arith.muli %add3A, %mul3A_63 : i32
    %add3A_65 = arith.constant 229376 : i32
    %add3A_66 = arith.addi %add3A_65, %mul3A_64 : i32
    %mul3A_67 = arith.constant 512 : i32
    %mul3A_68 = arith.muli %add3A, %mul3A_67 : i32
    %add3A_69 = arith.constant 245760 : i32
    %add3A_70 = arith.addi %add3A_69, %mul3A_68 : i32
    %mul3A_71 = arith.constant 512 : i32
    %mul3A_72 = arith.muli %add3A, %mul3A_71 : i32
    %add3A_73 = arith.constant 262144 : i32
    %add3A_74 = arith.addi %add3A_73, %mul3A_72 : i32
    %mul3A_75 = arith.constant 512 : i32
    %mul3A_76 = arith.muli %add3A, %mul3A_75 : i32
    %add3A_77 = arith.constant 278528 : i32
    %add3A_78 = arith.addi %add3A_77, %mul3A_76 : i32
    %mul3A_79 = arith.constant 512 : i32
    %mul3A_80 = arith.muli %add3A, %mul3A_79 : i32
    %add3A_81 = arith.constant 294912 : i32
    %add3A_82 = arith.addi %add3A_81, %mul3A_80 : i32
    %mul3A_83 = arith.constant 512 : i32
    %mul3A_84 = arith.muli %add3A, %mul3A_83 : i32
    %add3A_85 = arith.constant 311296 : i32
    %add3A_86 = arith.addi %add3A_85, %mul3A_84 : i32
    %mul3A_87 = arith.constant 512 : i32
    %mul3A_88 = arith.muli %add3A, %mul3A_87 : i32
    %add3A_89 = arith.constant 327680 : i32
    %add3A_90 = arith.addi %add3A_89, %mul3A_88 : i32
    %mul3A_91 = arith.constant 512 : i32
    %mul3A_92 = arith.muli %add3A, %mul3A_91 : i32
    %add3A_93 = arith.constant 344064 : i32
    %add3A_94 = arith.addi %add3A_93, %mul3A_92 : i32
    %mul3A_95 = arith.constant 512 : i32
    %mul3A_96 = arith.muli %add3A, %mul3A_95 : i32
    %add3A_97 = arith.constant 360448 : i32
    %add3A_98 = arith.addi %add3A_97, %mul3A_96 : i32
    %mul3A_99 = arith.constant 512 : i32
    %mul3A_100 = arith.muli %add3A, %mul3A_99 : i32
    %add3A_101 = arith.constant 376832 : i32
    %add3A_102 = arith.addi %add3A_101, %mul3A_100 : i32
    %mul3A_103 = arith.constant 512 : i32
    %mul3A_104 = arith.muli %add3A, %mul3A_103 : i32
    %add3A_105 = arith.constant 393216 : i32
    %add3A_106 = arith.addi %add3A_105, %mul3A_104 : i32
    %mul3A_107 = arith.constant 512 : i32
    %mul3A_108 = arith.muli %add3A, %mul3A_107 : i32
    %add3A_109 = arith.constant 409600 : i32
    %add3A_110 = arith.addi %add3A_109, %mul3A_108 : i32
    %dma_start3A = arith.constant 0 : i32
    %dma_start3A_111 = tpu.memref_slice %arg7[%dma_start3A] : memref<13312xi32, #tpu.memory_space<vmem>> -> memref<512xi32, #tpu.memory_space<vmem>>
    %dma_start3A_112 = tpu.memref_slice %arg4[%add3A_10] : memref<425984xi32, #tpu.memory_space<hbm>> -> memref<512xi32, #tpu.memory_space<hbm>>
    %dma_start3A_113 = tpu.memref_slice %arg4[%add3A_10] : memref<425984xi32, #tpu.memory_space<hbm>> -> memref<512xi32, #tpu.memory_space<hbm>>
    %dma_start3A_114 = arith.constant 0 : i32
    %dma_start3A_115 = tpu.memref_slice %arg7[%dma_start3A_114] : memref<13312xi32, #tpu.memory_space<vmem>> -> memref<512xi32, #tpu.memory_space<vmem>>
    tpu.enqueue_dma source(%dma_start3A_115 : memref<512xi32, #tpu.memory_space<vmem>>) target(%dma_start3A_113 : memref<512xi32, #tpu.memory_space<hbm>>) target_semaphore(%arg9 : memref<!tpu.dma_semaphore, #tpu.memory_space<semaphore_mem>>)
    %dma_start3A_116 = arith.constant 512 : i32
    %dma_start3A_117 = tpu.memref_slice %arg7[%dma_start3A_116] : memref<13312xi32, #tpu.memory_space<vmem>> -> memref<512xi32, #tpu.memory_space<vmem>>
    %dma_start3A_118 = tpu.memref_slice %arg4[%add3A_14] : memref<425984xi32, #tpu.memory_space<hbm>> -> memref<512xi32, #tpu.memory_space<hbm>>
    %dma_start3A_119 = tpu.memref_slice %arg4[%add3A_14] : memref<425984xi32, #tpu.memory_space<hbm>> -> memref<512xi32, #tpu.memory_space<hbm>>
    %dma_start3A_120 = arith.constant 512 : i32
    %dma_start3A_121 = tpu.memref_slice %arg7[%dma_start3A_120] : memref<13312xi32, #tpu.memory_space<vmem>> -> memref<512xi32, #tpu.memory_space<vmem>>
    tpu.enqueue_dma source(%dma_start3A_121 : memref<512xi32, #tpu.memory_space<vmem>>) target(%dma_start3A_119 : memref<512xi32, #tpu.memory_space<hbm>>) target_semaphore(%arg9 : memref<!tpu.dma_semaphore, #tpu.memory_space<semaphore_mem>>)
    %dma_start3A_122 = arith.constant 1024 : i32
    %dma_start3A_123 = tpu.memref_slice %arg7[%dma_start3A_122] : memref<13312xi32, #tpu.memory_space<vmem>> -> memref<512xi32, #tpu.memory_space<vmem>>
    %dma_start3A_124 = tpu.memref_slice %arg4[%add3A_18] : memref<425984xi32, #tpu.memory_space<hbm>> -> memref<512xi32, #tpu.memory_space<hbm>>
    %dma_start3A_125 = tpu.memref_slice %arg4[%add3A_18] : memref<425984xi32, #tpu.memory_space<hbm>> -> memref<512xi32, #tpu.memory_space<hbm>>
    %dma_start3A_126 = arith.constant 1024 : i32
    %dma_start3A_127 = tpu.memref_slice %arg7[%dma_start3A_126] : memref<13312xi32, #tpu.memory_space<vmem>> -> memref<512xi32, #tpu.memory_space<vmem>>
    tpu.enqueue_dma source(%dma_start3A_127 : memref<512xi32, #tpu.memory_space<vmem>>) target(%dma_start3A_125 : memref<512xi32, #tpu.memory_space<hbm>>) target_semaphore(%arg9 : memref<!tpu.dma_semaphore, #tpu.memory_space<semaphore_mem>>)
    %dma_start3A_128 = arith.constant 1536 : i32
    %dma_start3A_129 = tpu.memref_slice %arg7[%dma_start3A_128] : memref<13312xi32, #tpu.memory_space<vmem>> -> memref<512xi32, #tpu.memory_space<vmem>>
    %dma_start3A_130 = tpu.memref_slice %arg4[%add3A_22] : memref<425984xi32, #tpu.memory_space<hbm>> -> memref<512xi32, #tpu.memory_space<hbm>>
    %dma_start3A_131 = tpu.memref_slice %arg4[%add3A_22] : memref<425984xi32, #tpu.memory_space<hbm>> -> memref<512xi32, #tpu.memory_space<hbm>>
    %dma_start3A_132 = arith.constant 1536 : i32
    %dma_start3A_133 = tpu.memref_slice %arg7[%dma_start3A_132] : memref<13312xi32, #tpu.memory_space<vmem>> -> memref<512xi32, #tpu.memory_space<vmem>>
    tpu.enqueue_dma source(%dma_start3A_133 : memref<512xi32, #tpu.memory_space<vmem>>) target(%dma_start3A_131 : memref<512xi32, #tpu.memory_space<hbm>>) target_semaphore(%arg9 : memref<!tpu.dma_semaphore, #tpu.memory_space<semaphore_mem>>)
    %dma_start3A_134 = arith.constant 2048 : i32
    %dma_start3A_135 = tpu.memref_slice %arg7[%dma_start3A_134] : memref<13312xi32, #tpu.memory_space<vmem>> -> memref<512xi32, #tpu.memory_space<vmem>>
    %dma_start3A_136 = tpu.memref_slice %arg4[%add3A_26] : memref<425984xi32, #tpu.memory_space<hbm>> -> memref<512xi32, #tpu.memory_space<hbm>>
    %dma_start3A_137 = tpu.memref_slice %arg4[%add3A_26] : memref<425984xi32, #tpu.memory_space<hbm>> -> memref<512xi32, #tpu.memory_space<hbm>>
    %dma_start3A_138 = arith.constant 2048 : i32
    %dma_start3A_139 = tpu.memref_slice %arg7[%dma_start3A_138] : memref<13312xi32, #tpu.memory_space<vmem>> -> memref<512xi32, #tpu.memory_space<vmem>>
    tpu.enqueue_dma source(%dma_start3A_139 : memref<512xi32, #tpu.memory_space<vmem>>) target(%dma_start3A_137 : memref<512xi32, #tpu.memory_space<hbm>>) target_semaphore(%arg9 : memref<!tpu.dma_semaphore, #tpu.memory_space<semaphore_mem>>)
    %dma_start3A_140 = arith.constant 2560 : i32
    %dma_start3A_141 = tpu.memref_slice %arg7[%dma_start3A_140] : memref<13312xi32, #tpu.memory_space<vmem>> -> memref<512xi32, #tpu.memory_space<vmem>>
    %dma_start3A_142 = tpu.memref_slice %arg4[%add3A_30] : memref<425984xi32, #tpu.memory_space<hbm>> -> memref<512xi32, #tpu.memory_space<hbm>>
    %dma_start3A_143 = tpu.memref_slice %arg4[%add3A_30] : memref<425984xi32, #tpu.memory_space<hbm>> -> memref<512xi32, #tpu.memory_space<hbm>>
    %dma_start3A_144 = arith.constant 2560 : i32
    %dma_start3A_145 = tpu.memref_slice %arg7[%dma_start3A_144] : memref<13312xi32, #tpu.memory_space<vmem>> -> memref<512xi32, #tpu.memory_space<vmem>>
    tpu.enqueue_dma source(%dma_start3A_145 : memref<512xi32, #tpu.memory_space<vmem>>) target(%dma_start3A_143 : memref<512xi32, #tpu.memory_space<hbm>>) target_semaphore(%arg9 : memref<!tpu.dma_semaphore, #tpu.memory_space<semaphore_mem>>)
    %dma_start3A_146 = arith.constant 3072 : i32
    %dma_start3A_147 = tpu.memref_slice %arg7[%dma_start3A_146] : memref<13312xi32, #tpu.memory_space<vmem>> -> memref<512xi32, #tpu.memory_space<vmem>>
    %dma_start3A_148 = tpu.memref_slice %arg4[%add3A_34] : memref<425984xi32, #tpu.memory_space<hbm>> -> memref<512xi32, #tpu.memory_space<hbm>>
    %dma_start3A_149 = tpu.memref_slice %arg4[%add3A_34] : memref<425984xi32, #tpu.memory_space<hbm>> -> memref<512xi32, #tpu.memory_space<hbm>>
    %dma_start3A_150 = arith.constant 3072 : i32
    %dma_start3A_151 = tpu.memref_slice %arg7[%dma_start3A_150] : memref<13312xi32, #tpu.memory_space<vmem>> -> memref<512xi32, #tpu.memory_space<vmem>>
    tpu.enqueue_dma source(%dma_start3A_151 : memref<512xi32, #tpu.memory_space<vmem>>) target(%dma_start3A_149 : memref<512xi32, #tpu.memory_space<hbm>>) target_semaphore(%arg9 : memref<!tpu.dma_semaphore, #tpu.memory_space<semaphore_mem>>)
    %dma_start3A_152 = arith.constant 3584 : i32
    %dma_start3A_153 = tpu.memref_slice %arg7[%dma_start3A_152] : memref<13312xi32, #tpu.memory_space<vmem>> -> memref<512xi32, #tpu.memory_space<vmem>>
    %dma_start3A_154 = tpu.memref_slice %arg4[%add3A_38] : memref<425984xi32, #tpu.memory_space<hbm>> -> memref<512xi32, #tpu.memory_space<hbm>>
    %dma_start3A_155 = tpu.memref_slice %arg4[%add3A_38] : memref<425984xi32, #tpu.memory_space<hbm>> -> memref<512xi32, #tpu.memory_space<hbm>>
    %dma_start3A_156 = arith.constant 3584 : i32
    %dma_start3A_157 = tpu.memref_slice %arg7[%dma_start3A_156] : memref<13312xi32, #tpu.memory_space<vmem>> -> memref<512xi32, #tpu.memory_space<vmem>>
    tpu.enqueue_dma source(%dma_start3A_157 : memref<512xi32, #tpu.memory_space<vmem>>) target(%dma_start3A_155 : memref<512xi32, #tpu.memory_space<hbm>>) target_semaphore(%arg9 : memref<!tpu.dma_semaphore, #tpu.memory_space<semaphore_mem>>)
    %dma_start3A_158 = arith.constant 4096 : i32
    %dma_start3A_159 = tpu.memref_slice %arg7[%dma_start3A_158] : memref<13312xi32, #tpu.memory_space<vmem>> -> memref<512xi32, #tpu.memory_space<vmem>>
    %dma_start3A_160 = tpu.memref_slice %arg4[%add3A_42] : memref<425984xi32, #tpu.memory_space<hbm>> -> memref<512xi32, #tpu.memory_space<hbm>>
    %dma_start3A_161 = tpu.memref_slice %arg4[%add3A_42] : memref<425984xi32, #tpu.memory_space<hbm>> -> memref<512xi32, #tpu.memory_space<hbm>>
    %dma_start3A_162 = arith.constant 4096 : i32
    %dma_start3A_163 = tpu.memref_slice %arg7[%dma_start3A_162] : memref<13312xi32, #tpu.memory_space<vmem>> -> memref<512xi32, #tpu.memory_space<vmem>>
    tpu.enqueue_dma source(%dma_start3A_163 : memref<512xi32, #tpu.memory_space<vmem>>) target(%dma_start3A_161 : memref<512xi32, #tpu.memory_space<hbm>>) target_semaphore(%arg9 : memref<!tpu.dma_semaphore, #tpu.memory_space<semaphore_mem>>)
    %dma_start3A_164 = arith.constant 4608 : i32
    %dma_start3A_165 = tpu.memref_slice %arg7[%dma_start3A_164] : memref<13312xi32, #tpu.memory_space<vmem>> -> memref<512xi32, #tpu.memory_space<vmem>>
    %dma_start3A_166 = tpu.memref_slice %arg4[%add3A_46] : memref<425984xi32, #tpu.memory_space<hbm>> -> memref<512xi32, #tpu.memory_space<hbm>>
    %dma_start3A_167 = tpu.memref_slice %arg4[%add3A_46] : memref<425984xi32, #tpu.memory_space<hbm>> -> memref<512xi32, #tpu.memory_space<hbm>>
    %dma_start3A_168 = arith.constant 4608 : i32
    %dma_start3A_169 = tpu.memref_slice %arg7[%dma_start3A_168] : memref<13312xi32, #tpu.memory_space<vmem>> -> memref<512xi32, #tpu.memory_space<vmem>>
    tpu.enqueue_dma source(%dma_start3A_169 : memref<512xi32, #tpu.memory_space<vmem>>) target(%dma_start3A_167 : memref<512xi32, #tpu.memory_space<hbm>>) target_semaphore(%arg9 : memref<!tpu.dma_semaphore, #tpu.memory_space<semaphore_mem>>)
    %dma_start3A_170 = arith.constant 5120 : i32
    %dma_start3A_171 = tpu.memref_slice %arg7[%dma_start3A_170] : memref<13312xi32, #tpu.memory_space<vmem>> -> memref<512xi32, #tpu.memory_space<vmem>>
    %dma_start3A_172 = tpu.memref_slice %arg4[%add3A_50] : memref<425984xi32, #tpu.memory_space<hbm>> -> memref<512xi32, #tpu.memory_space<hbm>>
    %dma_start3A_173 = tpu.memref_slice %arg4[%add3A_50] : memref<425984xi32, #tpu.memory_space<hbm>> -> memref<512xi32, #tpu.memory_space<hbm>>
    %dma_start3A_174 = arith.constant 5120 : i32
    %dma_start3A_175 = tpu.memref_slice %arg7[%dma_start3A_174] : memref<13312xi32, #tpu.memory_space<vmem>> -> memref<512xi32, #tpu.memory_space<vmem>>
    tpu.enqueue_dma source(%dma_start3A_175 : memref<512xi32, #tpu.memory_space<vmem>>) target(%dma_start3A_173 : memref<512xi32, #tpu.memory_space<hbm>>) target_semaphore(%arg9 : memref<!tpu.dma_semaphore, #tpu.memory_space<semaphore_mem>>)
    %dma_start3A_176 = arith.constant 5632 : i32
    %dma_start3A_177 = tpu.memref_slice %arg7[%dma_start3A_176] : memref<13312xi32, #tpu.memory_space<vmem>> -> memref<512xi32, #tpu.memory_space<vmem>>
    %dma_start3A_178 = tpu.memref_slice %arg4[%add3A_54] : memref<425984xi32, #tpu.memory_space<hbm>> -> memref<512xi32, #tpu.memory_space<hbm>>
    %dma_start3A_179 = tpu.memref_slice %arg4[%add3A_54] : memref<425984xi32, #tpu.memory_space<hbm>> -> memref<512xi32, #tpu.memory_space<hbm>>
    %dma_start3A_180 = arith.constant 5632 : i32
    %dma_start3A_181 = tpu.memref_slice %arg7[%dma_start3A_180] : memref<13312xi32, #tpu.memory_space<vmem>> -> memref<512xi32, #tpu.memory_space<vmem>>
    tpu.enqueue_dma source(%dma_start3A_181 : memref<512xi32, #tpu.memory_space<vmem>>) target(%dma_start3A_179 : memref<512xi32, #tpu.memory_space<hbm>>) target_semaphore(%arg9 : memref<!tpu.dma_semaphore, #tpu.memory_space<semaphore_mem>>)
    %dma_start3A_182 = arith.constant 6144 : i32
    %dma_start3A_183 = tpu.memref_slice %arg7[%dma_start3A_182] : memref<13312xi32, #tpu.memory_space<vmem>> -> memref<512xi32, #tpu.memory_space<vmem>>
    %dma_start3A_184 = tpu.memref_slice %arg4[%add3A_58] : memref<425984xi32, #tpu.memory_space<hbm>> -> memref<512xi32, #tpu.memory_space<hbm>>
    %dma_start3A_185 = tpu.memref_slice %arg4[%add3A_58] : memref<425984xi32, #tpu.memory_space<hbm>> -> memref<512xi32, #tpu.memory_space<hbm>>
    %dma_start3A_186 = arith.constant 6144 : i32
    %dma_start3A_187 = tpu.memref_slice %arg7[%dma_start3A_186] : memref<13312xi32, #tpu.memory_space<vmem>> -> memref<512xi32, #tpu.memory_space<vmem>>
    tpu.enqueue_dma source(%dma_start3A_187 : memref<512xi32, #tpu.memory_space<vmem>>) target(%dma_start3A_185 : memref<512xi32, #tpu.memory_space<hbm>>) target_semaphore(%arg9 : memref<!tpu.dma_semaphore, #tpu.memory_space<semaphore_mem>>)
    %dma_start3A_188 = arith.constant 6656 : i32
    %dma_start3A_189 = tpu.memref_slice %arg7[%dma_start3A_188] : memref<13312xi32, #tpu.memory_space<vmem>> -> memref<512xi32, #tpu.memory_space<vmem>>
    %dma_start3A_190 = tpu.memref_slice %arg4[%add3A_62] : memref<425984xi32, #tpu.memory_space<hbm>> -> memref<512xi32, #tpu.memory_space<hbm>>
    %dma_start3A_191 = tpu.memref_slice %arg4[%add3A_62] : memref<425984xi32, #tpu.memory_space<hbm>> -> memref<512xi32, #tpu.memory_space<hbm>>
    %dma_start3A_192 = arith.constant 6656 : i32
    %dma_start3A_193 = tpu.memref_slice %arg7[%dma_start3A_192] : memref<13312xi32, #tpu.memory_space<vmem>> -> memref<512xi32, #tpu.memory_space<vmem>>
    tpu.enqueue_dma source(%dma_start3A_193 : memref<512xi32, #tpu.memory_space<vmem>>) target(%dma_start3A_191 : memref<512xi32, #tpu.memory_space<hbm>>) target_semaphore(%arg9 : memref<!tpu.dma_semaphore, #tpu.memory_space<semaphore_mem>>)
    %dma_start3A_194 = arith.constant 7168 : i32
    %dma_start3A_195 = tpu.memref_slice %arg7[%dma_start3A_194] : memref<13312xi32, #tpu.memory_space<vmem>> -> memref<512xi32, #tpu.memory_space<vmem>>
    %dma_start3A_196 = tpu.memref_slice %arg4[%add3A_66] : memref<425984xi32, #tpu.memory_space<hbm>> -> memref<512xi32, #tpu.memory_space<hbm>>
    %dma_start3A_197 = tpu.memref_slice %arg4[%add3A_66] : memref<425984xi32, #tpu.memory_space<hbm>> -> memref<512xi32, #tpu.memory_space<hbm>>
    %dma_start3A_198 = arith.constant 7168 : i32
    %dma_start3A_199 = tpu.memref_slice %arg7[%dma_start3A_198] : memref<13312xi32, #tpu.memory_space<vmem>> -> memref<512xi32, #tpu.memory_space<vmem>>
    tpu.enqueue_dma source(%dma_start3A_199 : memref<512xi32, #tpu.memory_space<vmem>>) target(%dma_start3A_197 : memref<512xi32, #tpu.memory_space<hbm>>) target_semaphore(%arg9 : memref<!tpu.dma_semaphore, #tpu.memory_space<semaphore_mem>>)
    %dma_start3A_200 = arith.constant 7680 : i32
    %dma_start3A_201 = tpu.memref_slice %arg7[%dma_start3A_200] : memref<13312xi32, #tpu.memory_space<vmem>> -> memref<512xi32, #tpu.memory_space<vmem>>
    %dma_start3A_202 = tpu.memref_slice %arg4[%add3A_70] : memref<425984xi32, #tpu.memory_space<hbm>> -> memref<512xi32, #tpu.memory_space<hbm>>
    %dma_start3A_203 = tpu.memref_slice %arg4[%add3A_70] : memref<425984xi32, #tpu.memory_space<hbm>> -> memref<512xi32, #tpu.memory_space<hbm>>
    %dma_start3A_204 = arith.constant 7680 : i32
    %dma_start3A_205 = tpu.memref_slice %arg7[%dma_start3A_204] : memref<13312xi32, #tpu.memory_space<vmem>> -> memref<512xi32, #tpu.memory_space<vmem>>
    tpu.enqueue_dma source(%dma_start3A_205 : memref<512xi32, #tpu.memory_space<vmem>>) target(%dma_start3A_203 : memref<512xi32, #tpu.memory_space<hbm>>) target_semaphore(%arg9 : memref<!tpu.dma_semaphore, #tpu.memory_space<semaphore_mem>>)
    %dma_start3A_206 = arith.constant 8192 : i32
    %dma_start3A_207 = tpu.memref_slice %arg7[%dma_start3A_206] : memref<13312xi32, #tpu.memory_space<vmem>> -> memref<512xi32, #tpu.memory_space<vmem>>
    %dma_start3A_208 = tpu.memref_slice %arg4[%add3A_74] : memref<425984xi32, #tpu.memory_space<hbm>> -> memref<512xi32, #tpu.memory_space<hbm>>
    %dma_start3A_209 = tpu.memref_slice %arg4[%add3A_74] : memref<425984xi32, #tpu.memory_space<hbm>> -> memref<512xi32, #tpu.memory_space<hbm>>
    %dma_start3A_210 = arith.constant 8192 : i32
    %dma_start3A_211 = tpu.memref_slice %arg7[%dma_start3A_210] : memref<13312xi32, #tpu.memory_space<vmem>> -> memref<512xi32, #tpu.memory_space<vmem>>
    tpu.enqueue_dma source(%dma_start3A_211 : memref<512xi32, #tpu.memory_space<vmem>>) target(%dma_start3A_209 : memref<512xi32, #tpu.memory_space<hbm>>) target_semaphore(%arg9 : memref<!tpu.dma_semaphore, #tpu.memory_space<semaphore_mem>>)
    %dma_start3A_212 = arith.constant 8704 : i32
    %dma_start3A_213 = tpu.memref_slice %arg7[%dma_start3A_212] : memref<13312xi32, #tpu.memory_space<vmem>> -> memref<512xi32, #tpu.memory_space<vmem>>
    %dma_start3A_214 = tpu.memref_slice %arg4[%add3A_78] : memref<425984xi32, #tpu.memory_space<hbm>> -> memref<512xi32, #tpu.memory_space<hbm>>
    %dma_start3A_215 = tpu.memref_slice %arg4[%add3A_78] : memref<425984xi32, #tpu.memory_space<hbm>> -> memref<512xi32, #tpu.memory_space<hbm>>
    %dma_start3A_216 = arith.constant 8704 : i32
    %dma_start3A_217 = tpu.memref_slice %arg7[%dma_start3A_216] : memref<13312xi32, #tpu.memory_space<vmem>> -> memref<512xi32, #tpu.memory_space<vmem>>
    tpu.enqueue_dma source(%dma_start3A_217 : memref<512xi32, #tpu.memory_space<vmem>>) target(%dma_start3A_215 : memref<512xi32, #tpu.memory_space<hbm>>) target_semaphore(%arg9 : memref<!tpu.dma_semaphore, #tpu.memory_space<semaphore_mem>>)
    %dma_start3A_218 = arith.constant 9216 : i32
    %dma_start3A_219 = tpu.memref_slice %arg7[%dma_start3A_218] : memref<13312xi32, #tpu.memory_space<vmem>> -> memref<512xi32, #tpu.memory_space<vmem>>
    %dma_start3A_220 = tpu.memref_slice %arg4[%add3A_82] : memref<425984xi32, #tpu.memory_space<hbm>> -> memref<512xi32, #tpu.memory_space<hbm>>
    %dma_start3A_221 = tpu.memref_slice %arg4[%add3A_82] : memref<425984xi32, #tpu.memory_space<hbm>> -> memref<512xi32, #tpu.memory_space<hbm>>
    %dma_start3A_222 = arith.constant 9216 : i32
    %dma_start3A_223 = tpu.memref_slice %arg7[%dma_start3A_222] : memref<13312xi32, #tpu.memory_space<vmem>> -> memref<512xi32, #tpu.memory_space<vmem>>
    tpu.enqueue_dma source(%dma_start3A_223 : memref<512xi32, #tpu.memory_space<vmem>>) target(%dma_start3A_221 : memref<512xi32, #tpu.memory_space<hbm>>) target_semaphore(%arg9 : memref<!tpu.dma_semaphore, #tpu.memory_space<semaphore_mem>>)
    %dma_start3A_224 = arith.constant 9728 : i32
    %dma_start3A_225 = tpu.memref_slice %arg7[%dma_start3A_224] : memref<13312xi32, #tpu.memory_space<vmem>> -> memref<512xi32, #tpu.memory_space<vmem>>
    %dma_start3A_226 = tpu.memref_slice %arg4[%add3A_86] : memref<425984xi32, #tpu.memory_space<hbm>> -> memref<512xi32, #tpu.memory_space<hbm>>
    %dma_start3A_227 = tpu.memref_slice %arg4[%add3A_86] : memref<425984xi32, #tpu.memory_space<hbm>> -> memref<512xi32, #tpu.memory_space<hbm>>
    %dma_start3A_228 = arith.constant 9728 : i32
    %dma_start3A_229 = tpu.memref_slice %arg7[%dma_start3A_228] : memref<13312xi32, #tpu.memory_space<vmem>> -> memref<512xi32, #tpu.memory_space<vmem>>
    tpu.enqueue_dma source(%dma_start3A_229 : memref<512xi32, #tpu.memory_space<vmem>>) target(%dma_start3A_227 : memref<512xi32, #tpu.memory_space<hbm>>) target_semaphore(%arg9 : memref<!tpu.dma_semaphore, #tpu.memory_space<semaphore_mem>>)
    %dma_start3A_230 = arith.constant 10240 : i32
    %dma_start3A_231 = tpu.memref_slice %arg7[%dma_start3A_230] : memref<13312xi32, #tpu.memory_space<vmem>> -> memref<512xi32, #tpu.memory_space<vmem>>
    %dma_start3A_232 = tpu.memref_slice %arg4[%add3A_90] : memref<425984xi32, #tpu.memory_space<hbm>> -> memref<512xi32, #tpu.memory_space<hbm>>
    %dma_start3A_233 = tpu.memref_slice %arg4[%add3A_90] : memref<425984xi32, #tpu.memory_space<hbm>> -> memref<512xi32, #tpu.memory_space<hbm>>
    %dma_start3A_234 = arith.constant 10240 : i32
    %dma_start3A_235 = tpu.memref_slice %arg7[%dma_start3A_234] : memref<13312xi32, #tpu.memory_space<vmem>> -> memref<512xi32, #tpu.memory_space<vmem>>
    tpu.enqueue_dma source(%dma_start3A_235 : memref<512xi32, #tpu.memory_space<vmem>>) target(%dma_start3A_233 : memref<512xi32, #tpu.memory_space<hbm>>) target_semaphore(%arg9 : memref<!tpu.dma_semaphore, #tpu.memory_space<semaphore_mem>>)
    %dma_start3A_236 = arith.constant 10752 : i32
    %dma_start3A_237 = tpu.memref_slice %arg7[%dma_start3A_236] : memref<13312xi32, #tpu.memory_space<vmem>> -> memref<512xi32, #tpu.memory_space<vmem>>
    %dma_start3A_238 = tpu.memref_slice %arg4[%add3A_94] : memref<425984xi32, #tpu.memory_space<hbm>> -> memref<512xi32, #tpu.memory_space<hbm>>
    %dma_start3A_239 = tpu.memref_slice %arg4[%add3A_94] : memref<425984xi32, #tpu.memory_space<hbm>> -> memref<512xi32, #tpu.memory_space<hbm>>
    %dma_start3A_240 = arith.constant 10752 : i32
    %dma_start3A_241 = tpu.memref_slice %arg7[%dma_start3A_240] : memref<13312xi32, #tpu.memory_space<vmem>> -> memref<512xi32, #tpu.memory_space<vmem>>
    tpu.enqueue_dma source(%dma_start3A_241 : memref<512xi32, #tpu.memory_space<vmem>>) target(%dma_start3A_239 : memref<512xi32, #tpu.memory_space<hbm>>) target_semaphore(%arg9 : memref<!tpu.dma_semaphore, #tpu.memory_space<semaphore_mem>>)
    %dma_start3A_242 = arith.constant 11264 : i32
    %dma_start3A_243 = tpu.memref_slice %arg7[%dma_start3A_242] : memref<13312xi32, #tpu.memory_space<vmem>> -> memref<512xi32, #tpu.memory_space<vmem>>
    %dma_start3A_244 = tpu.memref_slice %arg4[%add3A_98] : memref<425984xi32, #tpu.memory_space<hbm>> -> memref<512xi32, #tpu.memory_space<hbm>>
    %dma_start3A_245 = tpu.memref_slice %arg4[%add3A_98] : memref<425984xi32, #tpu.memory_space<hbm>> -> memref<512xi32, #tpu.memory_space<hbm>>
    %dma_start3A_246 = arith.constant 11264 : i32
    %dma_start3A_247 = tpu.memref_slice %arg7[%dma_start3A_246] : memref<13312xi32, #tpu.memory_space<vmem>> -> memref<512xi32, #tpu.memory_space<vmem>>
    tpu.enqueue_dma source(%dma_start3A_247 : memref<512xi32, #tpu.memory_space<vmem>>) target(%dma_start3A_245 : memref<512xi32, #tpu.memory_space<hbm>>) target_semaphore(%arg9 : memref<!tpu.dma_semaphore, #tpu.memory_space<semaphore_mem>>)
    %dma_start3A_248 = arith.constant 11776 : i32
    %dma_start3A_249 = tpu.memref_slice %arg7[%dma_start3A_248] : memref<13312xi32, #tpu.memory_space<vmem>> -> memref<512xi32, #tpu.memory_space<vmem>>
    %dma_start3A_250 = tpu.memref_slice %arg4[%add3A_102] : memref<425984xi32, #tpu.memory_space<hbm>> -> memref<512xi32, #tpu.memory_space<hbm>>
    %dma_start3A_251 = tpu.memref_slice %arg4[%add3A_102] : memref<425984xi32, #tpu.memory_space<hbm>> -> memref<512xi32, #tpu.memory_space<hbm>>
    %dma_start3A_252 = arith.constant 11776 : i32
    %dma_start3A_253 = tpu.memref_slice %arg7[%dma_start3A_252] : memref<13312xi32, #tpu.memory_space<vmem>> -> memref<512xi32, #tpu.memory_space<vmem>>
    tpu.enqueue_dma source(%dma_start3A_253 : memref<512xi32, #tpu.memory_space<vmem>>) target(%dma_start3A_251 : memref<512xi32, #tpu.memory_space<hbm>>) target_semaphore(%arg9 : memref<!tpu.dma_semaphore, #tpu.memory_space<semaphore_mem>>)
    %dma_start3A_254 = arith.constant 12288 : i32
    %dma_start3A_255 = tpu.memref_slice %arg7[%dma_start3A_254] : memref<13312xi32, #tpu.memory_space<vmem>> -> memref<512xi32, #tpu.memory_space<vmem>>
    %dma_start3A_256 = tpu.memref_slice %arg4[%add3A_106] : memref<425984xi32, #tpu.memory_space<hbm>> -> memref<512xi32, #tpu.memory_space<hbm>>
    %dma_start3A_257 = tpu.memref_slice %arg4[%add3A_106] : memref<425984xi32, #tpu.memory_space<hbm>> -> memref<512xi32, #tpu.memory_space<hbm>>
    %dma_start3A_258 = arith.constant 12288 : i32
    %dma_start3A_259 = tpu.memref_slice %arg7[%dma_start3A_258] : memref<13312xi32, #tpu.memory_space<vmem>> -> memref<512xi32, #tpu.memory_space<vmem>>
    tpu.enqueue_dma source(%dma_start3A_259 : memref<512xi32, #tpu.memory_space<vmem>>) target(%dma_start3A_257 : memref<512xi32, #tpu.memory_space<hbm>>) target_semaphore(%arg9 : memref<!tpu.dma_semaphore, #tpu.memory_space<semaphore_mem>>)
    %dma_start3A_260 = arith.constant 12800 : i32
    %dma_start3A_261 = tpu.memref_slice %arg7[%dma_start3A_260] : memref<13312xi32, #tpu.memory_space<vmem>> -> memref<512xi32, #tpu.memory_space<vmem>>
    %dma_start3A_262 = tpu.memref_slice %arg4[%add3A_110] : memref<425984xi32, #tpu.memory_space<hbm>> -> memref<512xi32, #tpu.memory_space<hbm>>
    %dma_start3A_263 = tpu.memref_slice %arg4[%add3A_110] : memref<425984xi32, #tpu.memory_space<hbm>> -> memref<512xi32, #tpu.memory_space<hbm>>
    %dma_start3A_264 = arith.constant 12800 : i32
    %dma_start3A_265 = tpu.memref_slice %arg7[%dma_start3A_264] : memref<13312xi32, #tpu.memory_space<vmem>> -> memref<512xi32, #tpu.memory_space<vmem>>
    tpu.enqueue_dma source(%dma_start3A_265 : memref<512xi32, #tpu.memory_space<vmem>>) target(%dma_start3A_263 : memref<512xi32, #tpu.memory_space<hbm>>) target_semaphore(%arg9 : memref<!tpu.dma_semaphore, #tpu.memory_space<semaphore_mem>>)
    %dma_wait3A = arith.constant 0 : i32
    %dma_wait3A_266 = tpu.memref_slice %arg7[%dma_wait3A] : memref<13312xi32, #tpu.memory_space<vmem>> -> memref<512xi32, #tpu.memory_space<vmem>>
    %dma_wait3A_267 = tpu.memref_slice %arg4[%add3A_10] : memref<425984xi32, #tpu.memory_space<hbm>> -> memref<512xi32, #tpu.memory_space<hbm>>
    %dma_wait3A_268 = tpu.memref_slice %arg4[%add3A_10] : memref<425984xi32, #tpu.memory_space<hbm>> -> memref<512xi32, #tpu.memory_space<hbm>>
    %dma_wait3A_269 = arith.constant 0 : i32
    %dma_wait3A_270 = tpu.memref_slice %arg7[%dma_wait3A_269] : memref<13312xi32, #tpu.memory_space<vmem>> -> memref<512xi32, #tpu.memory_space<vmem>>
    tpu.wait_dma2 semaphore(%arg9 : memref<!tpu.dma_semaphore, #tpu.memory_space<semaphore_mem>>) src(%dma_wait3A_270 : memref<512xi32, #tpu.memory_space<vmem>>) dst(%dma_wait3A_268 : memref<512xi32, #tpu.memory_space<hbm>>)
    %dma_wait3A_271 = arith.constant 512 : i32
    %dma_wait3A_272 = tpu.memref_slice %arg7[%dma_wait3A_271] : memref<13312xi32, #tpu.memory_space<vmem>> -> memref<512xi32, #tpu.memory_space<vmem>>
    %dma_wait3A_273 = tpu.memref_slice %arg4[%add3A_14] : memref<425984xi32, #tpu.memory_space<hbm>> -> memref<512xi32, #tpu.memory_space<hbm>>
    %dma_wait3A_274 = tpu.memref_slice %arg4[%add3A_14] : memref<425984xi32, #tpu.memory_space<hbm>> -> memref<512xi32, #tpu.memory_space<hbm>>
    %dma_wait3A_275 = arith.constant 512 : i32
    %dma_wait3A_276 = tpu.memref_slice %arg7[%dma_wait3A_275] : memref<13312xi32, #tpu.memory_space<vmem>> -> memref<512xi32, #tpu.memory_space<vmem>>
    tpu.wait_dma2 semaphore(%arg9 : memref<!tpu.dma_semaphore, #tpu.memory_space<semaphore_mem>>) src(%dma_wait3A_276 : memref<512xi32, #tpu.memory_space<vmem>>) dst(%dma_wait3A_274 : memref<512xi32, #tpu.memory_space<hbm>>)
    %dma_wait3A_277 = arith.constant 1024 : i32
    %dma_wait3A_278 = tpu.memref_slice %arg7[%dma_wait3A_277] : memref<13312xi32, #tpu.memory_space<vmem>> -> memref<512xi32, #tpu.memory_space<vmem>>
    %dma_wait3A_279 = tpu.memref_slice %arg4[%add3A_18] : memref<425984xi32, #tpu.memory_space<hbm>> -> memref<512xi32, #tpu.memory_space<hbm>>
    %dma_wait3A_280 = tpu.memref_slice %arg4[%add3A_18] : memref<425984xi32, #tpu.memory_space<hbm>> -> memref<512xi32, #tpu.memory_space<hbm>>
    %dma_wait3A_281 = arith.constant 1024 : i32
    %dma_wait3A_282 = tpu.memref_slice %arg7[%dma_wait3A_281] : memref<13312xi32, #tpu.memory_space<vmem>> -> memref<512xi32, #tpu.memory_space<vmem>>
    tpu.wait_dma2 semaphore(%arg9 : memref<!tpu.dma_semaphore, #tpu.memory_space<semaphore_mem>>) src(%dma_wait3A_282 : memref<512xi32, #tpu.memory_space<vmem>>) dst(%dma_wait3A_280 : memref<512xi32, #tpu.memory_space<hbm>>)
    %dma_wait3A_283 = arith.constant 1536 : i32
    %dma_wait3A_284 = tpu.memref_slice %arg7[%dma_wait3A_283] : memref<13312xi32, #tpu.memory_space<vmem>> -> memref<512xi32, #tpu.memory_space<vmem>>
    %dma_wait3A_285 = tpu.memref_slice %arg4[%add3A_22] : memref<425984xi32, #tpu.memory_space<hbm>> -> memref<512xi32, #tpu.memory_space<hbm>>
    %dma_wait3A_286 = tpu.memref_slice %arg4[%add3A_22] : memref<425984xi32, #tpu.memory_space<hbm>> -> memref<512xi32, #tpu.memory_space<hbm>>
    %dma_wait3A_287 = arith.constant 1536 : i32
    %dma_wait3A_288 = tpu.memref_slice %arg7[%dma_wait3A_287] : memref<13312xi32, #tpu.memory_space<vmem>> -> memref<512xi32, #tpu.memory_space<vmem>>
    tpu.wait_dma2 semaphore(%arg9 : memref<!tpu.dma_semaphore, #tpu.memory_space<semaphore_mem>>) src(%dma_wait3A_288 : memref<512xi32, #tpu.memory_space<vmem>>) dst(%dma_wait3A_286 : memref<512xi32, #tpu.memory_space<hbm>>)
    %dma_wait3A_289 = arith.constant 2048 : i32
    %dma_wait3A_290 = tpu.memref_slice %arg7[%dma_wait3A_289] : memref<13312xi32, #tpu.memory_space<vmem>> -> memref<512xi32, #tpu.memory_space<vmem>>
    %dma_wait3A_291 = tpu.memref_slice %arg4[%add3A_26] : memref<425984xi32, #tpu.memory_space<hbm>> -> memref<512xi32, #tpu.memory_space<hbm>>
    %dma_wait3A_292 = tpu.memref_slice %arg4[%add3A_26] : memref<425984xi32, #tpu.memory_space<hbm>> -> memref<512xi32, #tpu.memory_space<hbm>>
    %dma_wait3A_293 = arith.constant 2048 : i32
    %dma_wait3A_294 = tpu.memref_slice %arg7[%dma_wait3A_293] : memref<13312xi32, #tpu.memory_space<vmem>> -> memref<512xi32, #tpu.memory_space<vmem>>
    tpu.wait_dma2 semaphore(%arg9 : memref<!tpu.dma_semaphore, #tpu.memory_space<semaphore_mem>>) src(%dma_wait3A_294 : memref<512xi32, #tpu.memory_space<vmem>>) dst(%dma_wait3A_292 : memref<512xi32, #tpu.memory_space<hbm>>)
    %dma_wait3A_295 = arith.constant 2560 : i32
    %dma_wait3A_296 = tpu.memref_slice %arg7[%dma_wait3A_295] : memref<13312xi32, #tpu.memory_space<vmem>> -> memref<512xi32, #tpu.memory_space<vmem>>
    %dma_wait3A_297 = tpu.memref_slice %arg4[%add3A_30] : memref<425984xi32, #tpu.memory_space<hbm>> -> memref<512xi32, #tpu.memory_space<hbm>>
    %dma_wait3A_298 = tpu.memref_slice %arg4[%add3A_30] : memref<425984xi32, #tpu.memory_space<hbm>> -> memref<512xi32, #tpu.memory_space<hbm>>
    %dma_wait3A_299 = arith.constant 2560 : i32
    %dma_wait3A_300 = tpu.memref_slice %arg7[%dma_wait3A_299] : memref<13312xi32, #tpu.memory_space<vmem>> -> memref<512xi32, #tpu.memory_space<vmem>>
    tpu.wait_dma2 semaphore(%arg9 : memref<!tpu.dma_semaphore, #tpu.memory_space<semaphore_mem>>) src(%dma_wait3A_300 : memref<512xi32, #tpu.memory_space<vmem>>) dst(%dma_wait3A_298 : memref<512xi32, #tpu.memory_space<hbm>>)
    %dma_wait3A_301 = arith.constant 3072 : i32
    %dma_wait3A_302 = tpu.memref_slice %arg7[%dma_wait3A_301] : memref<13312xi32, #tpu.memory_space<vmem>> -> memref<512xi32, #tpu.memory_space<vmem>>
    %dma_wait3A_303 = tpu.memref_slice %arg4[%add3A_34] : memref<425984xi32, #tpu.memory_space<hbm>> -> memref<512xi32, #tpu.memory_space<hbm>>
    %dma_wait3A_304 = tpu.memref_slice %arg4[%add3A_34] : memref<425984xi32, #tpu.memory_space<hbm>> -> memref<512xi32, #tpu.memory_space<hbm>>
    %dma_wait3A_305 = arith.constant 3072 : i32
    %dma_wait3A_306 = tpu.memref_slice %arg7[%dma_wait3A_305] : memref<13312xi32, #tpu.memory_space<vmem>> -> memref<512xi32, #tpu.memory_space<vmem>>
    tpu.wait_dma2 semaphore(%arg9 : memref<!tpu.dma_semaphore, #tpu.memory_space<semaphore_mem>>) src(%dma_wait3A_306 : memref<512xi32, #tpu.memory_space<vmem>>) dst(%dma_wait3A_304 : memref<512xi32, #tpu.memory_space<hbm>>)
    %dma_wait3A_307 = arith.constant 3584 : i32
    %dma_wait3A_308 = tpu.memref_slice %arg7[%dma_wait3A_307] : memref<13312xi32, #tpu.memory_space<vmem>> -> memref<512xi32, #tpu.memory_space<vmem>>
    %dma_wait3A_309 = tpu.memref_slice %arg4[%add3A_38] : memref<425984xi32, #tpu.memory_space<hbm>> -> memref<512xi32, #tpu.memory_space<hbm>>
    %dma_wait3A_310 = tpu.memref_slice %arg4[%add3A_38] : memref<425984xi32, #tpu.memory_space<hbm>> -> memref<512xi32, #tpu.memory_space<hbm>>
    %dma_wait3A_311 = arith.constant 3584 : i32
    %dma_wait3A_312 = tpu.memref_slice %arg7[%dma_wait3A_311] : memref<13312xi32, #tpu.memory_space<vmem>> -> memref<512xi32, #tpu.memory_space<vmem>>
    tpu.wait_dma2 semaphore(%arg9 : memref<!tpu.dma_semaphore, #tpu.memory_space<semaphore_mem>>) src(%dma_wait3A_312 : memref<512xi32, #tpu.memory_space<vmem>>) dst(%dma_wait3A_310 : memref<512xi32, #tpu.memory_space<hbm>>)
    %dma_wait3A_313 = arith.constant 4096 : i32
    %dma_wait3A_314 = tpu.memref_slice %arg7[%dma_wait3A_313] : memref<13312xi32, #tpu.memory_space<vmem>> -> memref<512xi32, #tpu.memory_space<vmem>>
    %dma_wait3A_315 = tpu.memref_slice %arg4[%add3A_42] : memref<425984xi32, #tpu.memory_space<hbm>> -> memref<512xi32, #tpu.memory_space<hbm>>
    %dma_wait3A_316 = tpu.memref_slice %arg4[%add3A_42] : memref<425984xi32, #tpu.memory_space<hbm>> -> memref<512xi32, #tpu.memory_space<hbm>>
    %dma_wait3A_317 = arith.constant 4096 : i32
    %dma_wait3A_318 = tpu.memref_slice %arg7[%dma_wait3A_317] : memref<13312xi32, #tpu.memory_space<vmem>> -> memref<512xi32, #tpu.memory_space<vmem>>
    tpu.wait_dma2 semaphore(%arg9 : memref<!tpu.dma_semaphore, #tpu.memory_space<semaphore_mem>>) src(%dma_wait3A_318 : memref<512xi32, #tpu.memory_space<vmem>>) dst(%dma_wait3A_316 : memref<512xi32, #tpu.memory_space<hbm>>)
    %dma_wait3A_319 = arith.constant 4608 : i32
    %dma_wait3A_320 = tpu.memref_slice %arg7[%dma_wait3A_319] : memref<13312xi32, #tpu.memory_space<vmem>> -> memref<512xi32, #tpu.memory_space<vmem>>
    %dma_wait3A_321 = tpu.memref_slice %arg4[%add3A_46] : memref<425984xi32, #tpu.memory_space<hbm>> -> memref<512xi32, #tpu.memory_space<hbm>>
    %dma_wait3A_322 = tpu.memref_slice %arg4[%add3A_46] : memref<425984xi32, #tpu.memory_space<hbm>> -> memref<512xi32, #tpu.memory_space<hbm>>
    %dma_wait3A_323 = arith.constant 4608 : i32
    %dma_wait3A_324 = tpu.memref_slice %arg7[%dma_wait3A_323] : memref<13312xi32, #tpu.memory_space<vmem>> -> memref<512xi32, #tpu.memory_space<vmem>>
    tpu.wait_dma2 semaphore(%arg9 : memref<!tpu.dma_semaphore, #tpu.memory_space<semaphore_mem>>) src(%dma_wait3A_324 : memref<512xi32, #tpu.memory_space<vmem>>) dst(%dma_wait3A_322 : memref<512xi32, #tpu.memory_space<hbm>>)
    %dma_wait3A_325 = arith.constant 5120 : i32
    %dma_wait3A_326 = tpu.memref_slice %arg7[%dma_wait3A_325] : memref<13312xi32, #tpu.memory_space<vmem>> -> memref<512xi32, #tpu.memory_space<vmem>>
    %dma_wait3A_327 = tpu.memref_slice %arg4[%add3A_50] : memref<425984xi32, #tpu.memory_space<hbm>> -> memref<512xi32, #tpu.memory_space<hbm>>
    %dma_wait3A_328 = tpu.memref_slice %arg4[%add3A_50] : memref<425984xi32, #tpu.memory_space<hbm>> -> memref<512xi32, #tpu.memory_space<hbm>>
    %dma_wait3A_329 = arith.constant 5120 : i32
    %dma_wait3A_330 = tpu.memref_slice %arg7[%dma_wait3A_329] : memref<13312xi32, #tpu.memory_space<vmem>> -> memref<512xi32, #tpu.memory_space<vmem>>
    tpu.wait_dma2 semaphore(%arg9 : memref<!tpu.dma_semaphore, #tpu.memory_space<semaphore_mem>>) src(%dma_wait3A_330 : memref<512xi32, #tpu.memory_space<vmem>>) dst(%dma_wait3A_328 : memref<512xi32, #tpu.memory_space<hbm>>)
    %dma_wait3A_331 = arith.constant 5632 : i32
    %dma_wait3A_332 = tpu.memref_slice %arg7[%dma_wait3A_331] : memref<13312xi32, #tpu.memory_space<vmem>> -> memref<512xi32, #tpu.memory_space<vmem>>
    %dma_wait3A_333 = tpu.memref_slice %arg4[%add3A_54] : memref<425984xi32, #tpu.memory_space<hbm>> -> memref<512xi32, #tpu.memory_space<hbm>>
    %dma_wait3A_334 = tpu.memref_slice %arg4[%add3A_54] : memref<425984xi32, #tpu.memory_space<hbm>> -> memref<512xi32, #tpu.memory_space<hbm>>
    %dma_wait3A_335 = arith.constant 5632 : i32
    %dma_wait3A_336 = tpu.memref_slice %arg7[%dma_wait3A_335] : memref<13312xi32, #tpu.memory_space<vmem>> -> memref<512xi32, #tpu.memory_space<vmem>>
    tpu.wait_dma2 semaphore(%arg9 : memref<!tpu.dma_semaphore, #tpu.memory_space<semaphore_mem>>) src(%dma_wait3A_336 : memref<512xi32, #tpu.memory_space<vmem>>) dst(%dma_wait3A_334 : memref<512xi32, #tpu.memory_space<hbm>>)
    %dma_wait3A_337 = arith.constant 6144 : i32
    %dma_wait3A_338 = tpu.memref_slice %arg7[%dma_wait3A_337] : memref<13312xi32, #tpu.memory_space<vmem>> -> memref<512xi32, #tpu.memory_space<vmem>>
    %dma_wait3A_339 = tpu.memref_slice %arg4[%add3A_58] : memref<425984xi32, #tpu.memory_space<hbm>> -> memref<512xi32, #tpu.memory_space<hbm>>
    %dma_wait3A_340 = tpu.memref_slice %arg4[%add3A_58] : memref<425984xi32, #tpu.memory_space<hbm>> -> memref<512xi32, #tpu.memory_space<hbm>>
    %dma_wait3A_341 = arith.constant 6144 : i32
    %dma_wait3A_342 = tpu.memref_slice %arg7[%dma_wait3A_341] : memref<13312xi32, #tpu.memory_space<vmem>> -> memref<512xi32, #tpu.memory_space<vmem>>
    tpu.wait_dma2 semaphore(%arg9 : memref<!tpu.dma_semaphore, #tpu.memory_space<semaphore_mem>>) src(%dma_wait3A_342 : memref<512xi32, #tpu.memory_space<vmem>>) dst(%dma_wait3A_340 : memref<512xi32, #tpu.memory_space<hbm>>)
    %dma_wait3A_343 = arith.constant 6656 : i32
    %dma_wait3A_344 = tpu.memref_slice %arg7[%dma_wait3A_343] : memref<13312xi32, #tpu.memory_space<vmem>> -> memref<512xi32, #tpu.memory_space<vmem>>
    %dma_wait3A_345 = tpu.memref_slice %arg4[%add3A_62] : memref<425984xi32, #tpu.memory_space<hbm>> -> memref<512xi32, #tpu.memory_space<hbm>>
    %dma_wait3A_346 = tpu.memref_slice %arg4[%add3A_62] : memref<425984xi32, #tpu.memory_space<hbm>> -> memref<512xi32, #tpu.memory_space<hbm>>
    %dma_wait3A_347 = arith.constant 6656 : i32
    %dma_wait3A_348 = tpu.memref_slice %arg7[%dma_wait3A_347] : memref<13312xi32, #tpu.memory_space<vmem>> -> memref<512xi32, #tpu.memory_space<vmem>>
    tpu.wait_dma2 semaphore(%arg9 : memref<!tpu.dma_semaphore, #tpu.memory_space<semaphore_mem>>) src(%dma_wait3A_348 : memref<512xi32, #tpu.memory_space<vmem>>) dst(%dma_wait3A_346 : memref<512xi32, #tpu.memory_space<hbm>>)
    %dma_wait3A_349 = arith.constant 7168 : i32
    %dma_wait3A_350 = tpu.memref_slice %arg7[%dma_wait3A_349] : memref<13312xi32, #tpu.memory_space<vmem>> -> memref<512xi32, #tpu.memory_space<vmem>>
    %dma_wait3A_351 = tpu.memref_slice %arg4[%add3A_66] : memref<425984xi32, #tpu.memory_space<hbm>> -> memref<512xi32, #tpu.memory_space<hbm>>
    %dma_wait3A_352 = tpu.memref_slice %arg4[%add3A_66] : memref<425984xi32, #tpu.memory_space<hbm>> -> memref<512xi32, #tpu.memory_space<hbm>>
    %dma_wait3A_353 = arith.constant 7168 : i32
    %dma_wait3A_354 = tpu.memref_slice %arg7[%dma_wait3A_353] : memref<13312xi32, #tpu.memory_space<vmem>> -> memref<512xi32, #tpu.memory_space<vmem>>
    tpu.wait_dma2 semaphore(%arg9 : memref<!tpu.dma_semaphore, #tpu.memory_space<semaphore_mem>>) src(%dma_wait3A_354 : memref<512xi32, #tpu.memory_space<vmem>>) dst(%dma_wait3A_352 : memref<512xi32, #tpu.memory_space<hbm>>)
    %dma_wait3A_355 = arith.constant 7680 : i32
    %dma_wait3A_356 = tpu.memref_slice %arg7[%dma_wait3A_355] : memref<13312xi32, #tpu.memory_space<vmem>> -> memref<512xi32, #tpu.memory_space<vmem>>
    %dma_wait3A_357 = tpu.memref_slice %arg4[%add3A_70] : memref<425984xi32, #tpu.memory_space<hbm>> -> memref<512xi32, #tpu.memory_space<hbm>>
    %dma_wait3A_358 = tpu.memref_slice %arg4[%add3A_70] : memref<425984xi32, #tpu.memory_space<hbm>> -> memref<512xi32, #tpu.memory_space<hbm>>
    %dma_wait3A_359 = arith.constant 7680 : i32
    %dma_wait3A_360 = tpu.memref_slice %arg7[%dma_wait3A_359] : memref<13312xi32, #tpu.memory_space<vmem>> -> memref<512xi32, #tpu.memory_space<vmem>>
    tpu.wait_dma2 semaphore(%arg9 : memref<!tpu.dma_semaphore, #tpu.memory_space<semaphore_mem>>) src(%dma_wait3A_360 : memref<512xi32, #tpu.memory_space<vmem>>) dst(%dma_wait3A_358 : memref<512xi32, #tpu.memory_space<hbm>>)
    %dma_wait3A_361 = arith.constant 8192 : i32
    %dma_wait3A_362 = tpu.memref_slice %arg7[%dma_wait3A_361] : memref<13312xi32, #tpu.memory_space<vmem>> -> memref<512xi32, #tpu.memory_space<vmem>>
    %dma_wait3A_363 = tpu.memref_slice %arg4[%add3A_74] : memref<425984xi32, #tpu.memory_space<hbm>> -> memref<512xi32, #tpu.memory_space<hbm>>
    %dma_wait3A_364 = tpu.memref_slice %arg4[%add3A_74] : memref<425984xi32, #tpu.memory_space<hbm>> -> memref<512xi32, #tpu.memory_space<hbm>>
    %dma_wait3A_365 = arith.constant 8192 : i32
    %dma_wait3A_366 = tpu.memref_slice %arg7[%dma_wait3A_365] : memref<13312xi32, #tpu.memory_space<vmem>> -> memref<512xi32, #tpu.memory_space<vmem>>
    tpu.wait_dma2 semaphore(%arg9 : memref<!tpu.dma_semaphore, #tpu.memory_space<semaphore_mem>>) src(%dma_wait3A_366 : memref<512xi32, #tpu.memory_space<vmem>>) dst(%dma_wait3A_364 : memref<512xi32, #tpu.memory_space<hbm>>)
    %dma_wait3A_367 = arith.constant 8704 : i32
    %dma_wait3A_368 = tpu.memref_slice %arg7[%dma_wait3A_367] : memref<13312xi32, #tpu.memory_space<vmem>> -> memref<512xi32, #tpu.memory_space<vmem>>
    %dma_wait3A_369 = tpu.memref_slice %arg4[%add3A_78] : memref<425984xi32, #tpu.memory_space<hbm>> -> memref<512xi32, #tpu.memory_space<hbm>>
    %dma_wait3A_370 = tpu.memref_slice %arg4[%add3A_78] : memref<425984xi32, #tpu.memory_space<hbm>> -> memref<512xi32, #tpu.memory_space<hbm>>
    %dma_wait3A_371 = arith.constant 8704 : i32
    %dma_wait3A_372 = tpu.memref_slice %arg7[%dma_wait3A_371] : memref<13312xi32, #tpu.memory_space<vmem>> -> memref<512xi32, #tpu.memory_space<vmem>>
    tpu.wait_dma2 semaphore(%arg9 : memref<!tpu.dma_semaphore, #tpu.memory_space<semaphore_mem>>) src(%dma_wait3A_372 : memref<512xi32, #tpu.memory_space<vmem>>) dst(%dma_wait3A_370 : memref<512xi32, #tpu.memory_space<hbm>>)
    %dma_wait3A_373 = arith.constant 9216 : i32
    %dma_wait3A_374 = tpu.memref_slice %arg7[%dma_wait3A_373] : memref<13312xi32, #tpu.memory_space<vmem>> -> memref<512xi32, #tpu.memory_space<vmem>>
    %dma_wait3A_375 = tpu.memref_slice %arg4[%add3A_82] : memref<425984xi32, #tpu.memory_space<hbm>> -> memref<512xi32, #tpu.memory_space<hbm>>
    %dma_wait3A_376 = tpu.memref_slice %arg4[%add3A_82] : memref<425984xi32, #tpu.memory_space<hbm>> -> memref<512xi32, #tpu.memory_space<hbm>>
    %dma_wait3A_377 = arith.constant 9216 : i32
    %dma_wait3A_378 = tpu.memref_slice %arg7[%dma_wait3A_377] : memref<13312xi32, #tpu.memory_space<vmem>> -> memref<512xi32, #tpu.memory_space<vmem>>
    tpu.wait_dma2 semaphore(%arg9 : memref<!tpu.dma_semaphore, #tpu.memory_space<semaphore_mem>>) src(%dma_wait3A_378 : memref<512xi32, #tpu.memory_space<vmem>>) dst(%dma_wait3A_376 : memref<512xi32, #tpu.memory_space<hbm>>)
    %dma_wait3A_379 = arith.constant 9728 : i32
    %dma_wait3A_380 = tpu.memref_slice %arg7[%dma_wait3A_379] : memref<13312xi32, #tpu.memory_space<vmem>> -> memref<512xi32, #tpu.memory_space<vmem>>
    %dma_wait3A_381 = tpu.memref_slice %arg4[%add3A_86] : memref<425984xi32, #tpu.memory_space<hbm>> -> memref<512xi32, #tpu.memory_space<hbm>>
    %dma_wait3A_382 = tpu.memref_slice %arg4[%add3A_86] : memref<425984xi32, #tpu.memory_space<hbm>> -> memref<512xi32, #tpu.memory_space<hbm>>
    %dma_wait3A_383 = arith.constant 9728 : i32
    %dma_wait3A_384 = tpu.memref_slice %arg7[%dma_wait3A_383] : memref<13312xi32, #tpu.memory_space<vmem>> -> memref<512xi32, #tpu.memory_space<vmem>>
    tpu.wait_dma2 semaphore(%arg9 : memref<!tpu.dma_semaphore, #tpu.memory_space<semaphore_mem>>) src(%dma_wait3A_384 : memref<512xi32, #tpu.memory_space<vmem>>) dst(%dma_wait3A_382 : memref<512xi32, #tpu.memory_space<hbm>>)
    %dma_wait3A_385 = arith.constant 10240 : i32
    %dma_wait3A_386 = tpu.memref_slice %arg7[%dma_wait3A_385] : memref<13312xi32, #tpu.memory_space<vmem>> -> memref<512xi32, #tpu.memory_space<vmem>>
    %dma_wait3A_387 = tpu.memref_slice %arg4[%add3A_90] : memref<425984xi32, #tpu.memory_space<hbm>> -> memref<512xi32, #tpu.memory_space<hbm>>
    %dma_wait3A_388 = tpu.memref_slice %arg4[%add3A_90] : memref<425984xi32, #tpu.memory_space<hbm>> -> memref<512xi32, #tpu.memory_space<hbm>>
    %dma_wait3A_389 = arith.constant 10240 : i32
    %dma_wait3A_390 = tpu.memref_slice %arg7[%dma_wait3A_389] : memref<13312xi32, #tpu.memory_space<vmem>> -> memref<512xi32, #tpu.memory_space<vmem>>
    tpu.wait_dma2 semaphore(%arg9 : memref<!tpu.dma_semaphore, #tpu.memory_space<semaphore_mem>>) src(%dma_wait3A_390 : memref<512xi32, #tpu.memory_space<vmem>>) dst(%dma_wait3A_388 : memref<512xi32, #tpu.memory_space<hbm>>)
    %dma_wait3A_391 = arith.constant 10752 : i32
    %dma_wait3A_392 = tpu.memref_slice %arg7[%dma_wait3A_391] : memref<13312xi32, #tpu.memory_space<vmem>> -> memref<512xi32, #tpu.memory_space<vmem>>
    %dma_wait3A_393 = tpu.memref_slice %arg4[%add3A_94] : memref<425984xi32, #tpu.memory_space<hbm>> -> memref<512xi32, #tpu.memory_space<hbm>>
    %dma_wait3A_394 = tpu.memref_slice %arg4[%add3A_94] : memref<425984xi32, #tpu.memory_space<hbm>> -> memref<512xi32, #tpu.memory_space<hbm>>
    %dma_wait3A_395 = arith.constant 10752 : i32
    %dma_wait3A_396 = tpu.memref_slice %arg7[%dma_wait3A_395] : memref<13312xi32, #tpu.memory_space<vmem>> -> memref<512xi32, #tpu.memory_space<vmem>>
    tpu.wait_dma2 semaphore(%arg9 : memref<!tpu.dma_semaphore, #tpu.memory_space<semaphore_mem>>) src(%dma_wait3A_396 : memref<512xi32, #tpu.memory_space<vmem>>) dst(%dma_wait3A_394 : memref<512xi32, #tpu.memory_space<hbm>>)
    %dma_wait3A_397 = arith.constant 11264 : i32
    %dma_wait3A_398 = tpu.memref_slice %arg7[%dma_wait3A_397] : memref<13312xi32, #tpu.memory_space<vmem>> -> memref<512xi32, #tpu.memory_space<vmem>>
    %dma_wait3A_399 = tpu.memref_slice %arg4[%add3A_98] : memref<425984xi32, #tpu.memory_space<hbm>> -> memref<512xi32, #tpu.memory_space<hbm>>
    %dma_wait3A_400 = tpu.memref_slice %arg4[%add3A_98] : memref<425984xi32, #tpu.memory_space<hbm>> -> memref<512xi32, #tpu.memory_space<hbm>>
    %dma_wait3A_401 = arith.constant 11264 : i32
    %dma_wait3A_402 = tpu.memref_slice %arg7[%dma_wait3A_401] : memref<13312xi32, #tpu.memory_space<vmem>> -> memref<512xi32, #tpu.memory_space<vmem>>
    tpu.wait_dma2 semaphore(%arg9 : memref<!tpu.dma_semaphore, #tpu.memory_space<semaphore_mem>>) src(%dma_wait3A_402 : memref<512xi32, #tpu.memory_space<vmem>>) dst(%dma_wait3A_400 : memref<512xi32, #tpu.memory_space<hbm>>)
    %dma_wait3A_403 = arith.constant 11776 : i32
    %dma_wait3A_404 = tpu.memref_slice %arg7[%dma_wait3A_403] : memref<13312xi32, #tpu.memory_space<vmem>> -> memref<512xi32, #tpu.memory_space<vmem>>
    %dma_wait3A_405 = tpu.memref_slice %arg4[%add3A_102] : memref<425984xi32, #tpu.memory_space<hbm>> -> memref<512xi32, #tpu.memory_space<hbm>>
    %dma_wait3A_406 = tpu.memref_slice %arg4[%add3A_102] : memref<425984xi32, #tpu.memory_space<hbm>> -> memref<512xi32, #tpu.memory_space<hbm>>
    %dma_wait3A_407 = arith.constant 11776 : i32
    %dma_wait3A_408 = tpu.memref_slice %arg7[%dma_wait3A_407] : memref<13312xi32, #tpu.memory_space<vmem>> -> memref<512xi32, #tpu.memory_space<vmem>>
    tpu.wait_dma2 semaphore(%arg9 : memref<!tpu.dma_semaphore, #tpu.memory_space<semaphore_mem>>) src(%dma_wait3A_408 : memref<512xi32, #tpu.memory_space<vmem>>) dst(%dma_wait3A_406 : memref<512xi32, #tpu.memory_space<hbm>>)
    %dma_wait3A_409 = arith.constant 12288 : i32
    %dma_wait3A_410 = tpu.memref_slice %arg7[%dma_wait3A_409] : memref<13312xi32, #tpu.memory_space<vmem>> -> memref<512xi32, #tpu.memory_space<vmem>>
    %dma_wait3A_411 = tpu.memref_slice %arg4[%add3A_106] : memref<425984xi32, #tpu.memory_space<hbm>> -> memref<512xi32, #tpu.memory_space<hbm>>
    %dma_wait3A_412 = tpu.memref_slice %arg4[%add3A_106] : memref<425984xi32, #tpu.memory_space<hbm>> -> memref<512xi32, #tpu.memory_space<hbm>>
    %dma_wait3A_413 = arith.constant 12288 : i32
    %dma_wait3A_414 = tpu.memref_slice %arg7[%dma_wait3A_413] : memref<13312xi32, #tpu.memory_space<vmem>> -> memref<512xi32, #tpu.memory_space<vmem>>
    tpu.wait_dma2 semaphore(%arg9 : memref<!tpu.dma_semaphore, #tpu.memory_space<semaphore_mem>>) src(%dma_wait3A_414 : memref<512xi32, #tpu.memory_space<vmem>>) dst(%dma_wait3A_412 : memref<512xi32, #tpu.memory_space<hbm>>)
    %dma_wait3A_415 = arith.constant 12800 : i32
    %dma_wait3A_416 = tpu.memref_slice %arg7[%dma_wait3A_415] : memref<13312xi32, #tpu.memory_space<vmem>> -> memref<512xi32, #tpu.memory_space<vmem>>
    %dma_wait3A_417 = tpu.memref_slice %arg4[%add3A_110] : memref<425984xi32, #tpu.memory_space<hbm>> -> memref<512xi32, #tpu.memory_space<hbm>>
    %dma_wait3A_418 = tpu.memref_slice %arg4[%add3A_110] : memref<425984xi32, #tpu.memory_space<hbm>> -> memref<512xi32, #tpu.memory_space<hbm>>
    %dma_wait3A_419 = arith.constant 12800 : i32
    %dma_wait3A_420 = tpu.memref_slice %arg7[%dma_wait3A_419] : memref<13312xi32, #tpu.memory_space<vmem>> -> memref<512xi32, #tpu.memory_space<vmem>>
    tpu.wait_dma2 semaphore(%arg9 : memref<!tpu.dma_semaphore, #tpu.memory_space<semaphore_mem>>) src(%dma_wait3A_420 : memref<512xi32, #tpu.memory_space<vmem>>) dst(%dma_wait3A_418 : memref<512xi32, #tpu.memory_space<hbm>>)
    return
  }
}

module attributes {stable_mosaic.version = 14 : i64} {
  func.func @_table_mlp_body(%arg0: i32, %arg1: memref<20480x128xf32, #tpu.memory_space<vmem>>, %arg2: memref<128x64xf32, #tpu.memory_space<vmem>>, %arg3: memref<1x64xf32, #tpu.memory_space<vmem>>, %arg4: memref<64x64xf32, #tpu.memory_space<vmem>>, %arg5: memref<1x64xf32, #tpu.memory_space<vmem>>, %arg6: memref<64x2xf32, #tpu.memory_space<vmem>>, %arg7: memref<2x1xf32, #tpu.memory_space<vmem>>, %arg8: memref<20480xi32, #tpu.memory_space<vmem>>) attributes {dimension_semantics = [#tpu.dimension_semantics<arbitrary>], iteration_bounds = array<i64: 5>, scalar_prefetch = 0 : i64, scratch_operands = 0 : i64, tpu.core_type = #tpu.core_type<tc>, window_params = [{transform_indices = @transform_0, window_bounds = array<i64: 20480, 128>}, {pipeline_mode = #tpu.pipeline_mode<synchronous>, transform_indices = @transform_1, window_bounds = array<i64: 128, 64>}, {pipeline_mode = #tpu.pipeline_mode<synchronous>, transform_indices = @transform_2, window_bounds = array<i64: 1, 64>}, {pipeline_mode = #tpu.pipeline_mode<synchronous>, transform_indices = @transform_3, window_bounds = array<i64: 64, 64>}, {pipeline_mode = #tpu.pipeline_mode<synchronous>, transform_indices = @transform_4, window_bounds = array<i64: 1, 64>}, {pipeline_mode = #tpu.pipeline_mode<synchronous>, transform_indices = @transform_5, window_bounds = array<i64: 64, 2>}, {pipeline_mode = #tpu.pipeline_mode<synchronous>, transform_indices = @transform_6, window_bounds = array<i64: 2, 1>}, {transform_indices = @transform_7, window_bounds = array<i64: 20480>}]} {
    %get3A = arith.constant 0 : index
    %get3A_0 = arith.constant 0 : index
    %get3A_1 = vector.load %arg1[%get3A, %get3A_0] : memref<20480x128xf32, #tpu.memory_space<vmem>>, vector<20480x128xf32>
    %get3A_2 = arith.constant 0 : index
    %get3A_3 = arith.constant 0 : index
    %get3A_4 = vector.load %arg2[%get3A_2, %get3A_3] : memref<128x64xf32, #tpu.memory_space<vmem>>, vector<128x64xf32>
    %dot_general3A = arith.constant dense<0.000000e+00> : vector<20480x64xf32>
    %dot_general3A_5 = tpu.matmul %get3A_1, %get3A_4, %dot_general3A {dimension_numbers = #tpu.dot_dimension_numbers<[1], [0], [0], [1], [0, 0, 1, 1], [], []>, transpose_lhs_hint = false} : vector<20480x128xf32>, vector<128x64xf32>, vector<20480x64xf32> -> vector<20480x64xf32>
    %get3A_6 = arith.constant 0 : index
    %get3A_7 = arith.constant 0 : index
    %get3A_8 = vector.load %arg3[%get3A_6, %get3A_7] : memref<1x64xf32, #tpu.memory_space<vmem>>, vector<1x64xf32>
    %add3A = vector.broadcast %get3A_8 : vector<1x64xf32> to vector<20480x64xf32>
    %add3A_9 = arith.addf %dot_general3A_5, %add3A : vector<20480x64xf32>
    %tanh3A = math.tanh %add3A_9 : vector<20480x64xf32>
    %get3A_10 = arith.constant 0 : index
    %get3A_11 = arith.constant 0 : index
    %get3A_12 = vector.load %arg4[%get3A_10, %get3A_11] : memref<64x64xf32, #tpu.memory_space<vmem>>, vector<64x64xf32>
    %dot_general3A_13 = arith.constant dense<0.000000e+00> : vector<20480x64xf32>
    %dot_general3A_14 = tpu.matmul %tanh3A, %get3A_12, %dot_general3A_13 {dimension_numbers = #tpu.dot_dimension_numbers<[1], [0], [0], [1], [0, 0, 1, 1], [], []>, transpose_lhs_hint = false} : vector<20480x64xf32>, vector<64x64xf32>, vector<20480x64xf32> -> vector<20480x64xf32>
    %get3A_15 = arith.constant 0 : index
    %get3A_16 = arith.constant 0 : index
    %get3A_17 = vector.load %arg5[%get3A_15, %get3A_16] : memref<1x64xf32, #tpu.memory_space<vmem>>, vector<1x64xf32>
    %add3A_18 = vector.broadcast %get3A_17 : vector<1x64xf32> to vector<20480x64xf32>
    %add3A_19 = arith.addf %dot_general3A_14, %add3A_18 : vector<20480x64xf32>
    %tanh3A_20 = math.tanh %add3A_19 : vector<20480x64xf32>
    %get3A_21 = arith.constant 0 : index
    %get3A_22 = arith.constant 0 : index
    %get3A_23 = vector.load %arg6[%get3A_21, %get3A_22] : memref<64x2xf32, #tpu.memory_space<vmem>>, vector<64x2xf32>
    %dot_general3A_24 = arith.constant dense<0.000000e+00> : vector<2x20480xf32>
    %dot_general3A_25 = tpu.matmul %get3A_23, %tanh3A_20, %dot_general3A_24 {dimension_numbers = #tpu.dot_dimension_numbers<[0], [1], [1], [0], [0, 1, 1, 0], [], []>, transpose_lhs_hint = false} : vector<64x2xf32>, vector<20480x64xf32>, vector<2x20480xf32> -> vector<2x20480xf32>
    %get3A_26 = arith.constant 0 : index
    %get3A_27 = arith.constant 0 : index
    %get3A_28 = vector.load %arg7[%get3A_26, %get3A_27] : memref<2x1xf32, #tpu.memory_space<vmem>>, vector<2x1xf32>
    %add3A_29 = vector.broadcast %get3A_28 : vector<2x1xf32> to vector<2x20480xf32>
    %add3A_30 = arith.addf %dot_general3A_25, %add3A_29 : vector<2x20480xf32>
    %bitcast_convert_type3A = tpu.bitcast %add3A_30 : vector<2x20480xf32> -> vector<2x20480xi32>
    %slice3A = vector.extract_strided_slice %bitcast_convert_type3A {offsets = [0, 0], sizes = [1, 20480], strides = [1, 1]} : vector<2x20480xi32> to vector<1x20480xi32>
    %add3A_31 = arith.constant 32767 : i32
    %add3A_32 = vector.broadcast %add3A_31 : i32 to vector<1x20480xi32>
    %add3A_33 = arith.addi %slice3A, %add3A_32 : vector<1x20480xi32>
    %shift_right_logical3A = arith.constant 16 : i32
    %shift_right_logical3A_34 = vector.broadcast %shift_right_logical3A : i32 to vector<1x20480xi32>
    %shift_right_logical3A_35 = arith.shrui %slice3A, %shift_right_logical3A_34 : vector<1x20480xi32>
    %and3A = arith.constant 1 : i32
    %and3A_36 = vector.broadcast %and3A : i32 to vector<1x20480xi32>
    %and3A_37 = arith.andi %shift_right_logical3A_35, %and3A_36 : vector<1x20480xi32>
    %add3A_38 = arith.addi %add3A_33, %and3A_37 : vector<1x20480xi32>
    %shift_right_logical3A_39 = arith.constant 16 : i32
    %shift_right_logical3A_40 = vector.broadcast %shift_right_logical3A_39 : i32 to vector<1x20480xi32>
    %shift_right_logical3A_41 = arith.shrui %add3A_38, %shift_right_logical3A_40 : vector<1x20480xi32>
    %slice3A_42 = vector.extract_strided_slice %bitcast_convert_type3A {offsets = [1, 0], sizes = [1, 20480], strides = [1, 1]} : vector<2x20480xi32> to vector<1x20480xi32>
    %add3A_43 = arith.constant 32767 : i32
    %add3A_44 = vector.broadcast %add3A_43 : i32 to vector<1x20480xi32>
    %add3A_45 = arith.addi %slice3A_42, %add3A_44 : vector<1x20480xi32>
    %shift_right_logical3A_46 = arith.constant 16 : i32
    %shift_right_logical3A_47 = vector.broadcast %shift_right_logical3A_46 : i32 to vector<1x20480xi32>
    %shift_right_logical3A_48 = arith.shrui %slice3A_42, %shift_right_logical3A_47 : vector<1x20480xi32>
    %and3A_49 = arith.constant 1 : i32
    %and3A_50 = vector.broadcast %and3A_49 : i32 to vector<1x20480xi32>
    %and3A_51 = arith.andi %shift_right_logical3A_48, %and3A_50 : vector<1x20480xi32>
    %add3A_52 = arith.addi %add3A_45, %and3A_51 : vector<1x20480xi32>
    %shift_right_logical3A_53 = arith.constant 16 : i32
    %shift_right_logical3A_54 = vector.broadcast %shift_right_logical3A_53 : i32 to vector<1x20480xi32>
    %shift_right_logical3A_55 = arith.shrui %add3A_52, %shift_right_logical3A_54 : vector<1x20480xi32>
    %shift_left3A = arith.constant 16 : i32
    %shift_left3A_56 = vector.broadcast %shift_left3A : i32 to vector<1x20480xi32>
    %shift_left3A_57 = arith.shli %shift_right_logical3A_55, %shift_left3A_56 : vector<1x20480xi32>
    %or3A = arith.ori %shift_right_logical3A_41, %shift_left3A_57 : vector<1x20480xi32>
    %bitcast_convert_type3A_58 = tpu.bitcast %or3A : vector<1x20480xi32> -> vector<1x20480xi32>
    %reshape3A = vector.shape_cast %bitcast_convert_type3A_58 : vector<1x20480xi32> to vector<20480xi32>
    %swap3A = arith.constant 0 : index
    %swap3A_59 = vector.load %arg8[%swap3A] : memref<20480xi32, #tpu.memory_space<vmem>>, vector<20480xi32>
    tpu.vector_store %arg8[%swap3A], %reshape3A {strides = array<i32>} : memref<20480xi32, #tpu.memory_space<vmem>>, vector<20480xi32>,
    return
  }
  func.func @transform_0(%arg0: i32) -> (i32, i32) {
    %c0_i32 = arith.constant 0 : i32
    %c0_i32_0 = arith.constant 0 : i32
    return %arg0, %c0_i32 : i32, i32
  }
  func.func @transform_1(%arg0: i32) -> (i32, i32) {
    %c0_i32 = arith.constant 0 : i32
    %c0_i32_0 = arith.constant 0 : i32
    %c0_i32_1 = arith.constant 0 : i32
    return %c0_i32, %c0_i32_0 : i32, i32
  }
  func.func @transform_2(%arg0: i32) -> (i32, i32) {
    %c0_i32 = arith.constant 0 : i32
    %c0_i32_0 = arith.constant 0 : i32
    %c0_i32_1 = arith.constant 0 : i32
    return %c0_i32, %c0_i32_0 : i32, i32
  }
  func.func @transform_3(%arg0: i32) -> (i32, i32) {
    %c0_i32 = arith.constant 0 : i32
    %c0_i32_0 = arith.constant 0 : i32
    %c0_i32_1 = arith.constant 0 : i32
    return %c0_i32, %c0_i32_0 : i32, i32
  }
  func.func @transform_4(%arg0: i32) -> (i32, i32) {
    %c0_i32 = arith.constant 0 : i32
    %c0_i32_0 = arith.constant 0 : i32
    %c0_i32_1 = arith.constant 0 : i32
    return %c0_i32, %c0_i32_0 : i32, i32
  }
  func.func @transform_5(%arg0: i32) -> (i32, i32) {
    %c0_i32 = arith.constant 0 : i32
    %c0_i32_0 = arith.constant 0 : i32
    %c0_i32_1 = arith.constant 0 : i32
    return %c0_i32, %c0_i32_0 : i32, i32
  }
  func.func @transform_6(%arg0: i32) -> (i32, i32) {
    %c0_i32 = arith.constant 0 : i32
    %c0_i32_0 = arith.constant 0 : i32
    %c0_i32_1 = arith.constant 0 : i32
    return %c0_i32, %c0_i32_0 : i32, i32
  }
  func.func @transform_7(%arg0: i32) -> i32 {
    %c0_i32 = arith.constant 0 : i32
    return %arg0 : i32
  }
}

</mosaic_0001>

<sc_bundles>
// kernel: kernel.4.cloned.1.call-start
scs
__scs_entry_jumppad:
0x0: {  	(pc) =	sbr.rel $0x88, $3  }
0x1: {  	(tag) =	ssettag $0x0;
	lr =	simm.s32 $0x1  }
0x2: {  	[smem:$0x3F99] =	sst lr;
	_ =	strace $0xD0000000  }
0x3: {  	_ = 	snop  }
0x4: {  	_ = 	snop  }
0x5: {  	_ = 	snop  }
0x6: {  	_ = 	snop  }
0x7: {  	_ = 	snop  }
__scs_overlays_trampoline_lowered:
0x8: {  	[smem:$0x3FA8] =	sst s0  }
0x9: {  	[smem:$0x3FA9] =	sst s1  }
0xa: {  	[smem:$0x3FAA] =	sst s2  }
0xb: {  	[smem:$0x3FAB] =	sst s3  }
0xc: {  	[smem:$0x3FAC] =	sst s4  }
0xd: {  	[smem:$0x3FAD] =	sst s5  }
0xe: {  	[smem:$0x3FAE] =	sst s6  }
0xf: {  	[smem:$0x3FAF] =	sst s7  }
0x10: {  	[smem:$0x3FB0] =	sst s8  }
0x11: {  	[smem:$0x3FB1] =	sst s9;
	s0 =	simm.s32 @!p0 $0x0  }
0x12: {  	s1 =	sld [smem:$0x3F97];
	s0 =	simm.s32 @p0 $0x1  }
0x13: {  	[smem:$0x3FB2] =	sst s0;
	s0 =	simm.s32 @!p1 $0x0  }
0x14: {  	s2 =	sld [smem:$0x3F96];
	s0 =	simm.s32 @p1 $0x1  }
0x15: {  	[smem:$0x3FB3] =	sst s0;
	s0 =	simm.s32 @!p2 $0x0  }
0x16: {  	s3 =	sld [smem:$0x3FDB];
	s0 =	simm.s32 @p2 $0x1  }
0x17: {  	s4 =	simm.s32 $0x1BF5;
	[smem:$0x3FB5] =	sst s0  }
0x18: {  	s0 =	sld [smem:$0x3F98];
	_ =	swait.ge [sflag:s4], $0x0  }
0x19: {  	s7 =	sld [smem:$0x3F99]  }
0x1a: {  	s8 =	sadd.s32 $0xFFFFE003, lr  }
0x1b: {  	s9 =	sadd.s32 $0xFFFFFEF7, lr;
	s5 =	simm.s32 $0xFFFFFFFF;
	p2 =	slt.u32 s8, $0xFFFFF086  }
0x1c: {  	p1 =	slt.u32 s9, $0xF7A;
	s5 =	simm.s32 @!p2 $0x0  }
0x1d: {  	s5 =	simm.s32 @p1 $0x1;
	p0 =	seq.s32 s7, s2  }
0x1e: {  	s7 =	smul.u32 @!p0 $0xF7A, s2;
	p2 =	seq.s32 @!p0 s5, $0x0  }
0x1f: {  	s9 =	smul.u32 $0xF7A, s1;
	s8 =	simm.s32 @!p0 $0x1BF5;
	p2 =	por !p2, p0  }
0x20: {  	[sflag:s8] =	ssyncset.s32 @!p0 $0xFFFFF086;
	s6 =	sadd.s32 @!p0 s3, s7;
	s7 =	simm.s32 @!p0 $0x108  }
0x21: {  	s3 =	sadd.s32 s3, s9;
	s6 =	sadd.s32 @!p0 $0x88, s6;
	s7 =	simm.s32 @p2 $0x1082  }
0x22: {  	[simem:s7], [sflag:s8] =	dma.local @!p0 [hbm:s6], $0xF7A  }
0x23: {  	s9 =	sor.u32 $0xD0000000, s2;
	s6 =	simm.s32 $0x108;
	_ =	swait.ge @!p0 [sflag:s8], $0x0  }
0x24: {  	s3 =	sadd.s32 $0x88, s3;
	s6 =	simm.s32 @!p1 $0x1082;
	[sflag:s4] =	ssyncset.s32 $0xFFFFF086  }
0x25: {  	[simem:s6], [sflag:s4] =	dma.local [hbm:s3], $0xF7A  }
0x26: {  	[smem:$0x3F99] =	sst s1;
	(tag) =	ssettag s2;
	_ =	strace s9  }
0x27: {  	s1 =	sld [smem:$0x3FA9]  }
0x28: {  	s2 =	sld [smem:$0x3FAA]  }
0x29: {  	s4 =	sld [smem:$0x3FAC]  }
0x2a: {  	p0 =	seq.s32 s5, $0x0;
	s5 =	sld [smem:$0x3FAD]  }
0x2b: {  	s6 =	sld [smem:$0x3FAE]  }
0x2c: {  	s7 =	sld [smem:$0x3FAF]  }
0x2d: {  	s3 =	simm.s32 $0x108;
	s8 =	sld [smem:$0x3FB0]  }
0x2e: {  	s3 =	simm.s32 @!p0 $0x1082;
	s9 =	sld [smem:$0x3FB1]  }
0x2f: {  	lr =	sadd.s32 s0, s3;
	s0 =	sld [smem:$0x3FA8]  }
0x30: {  	s3 =	sld [smem:$0x3FAB]  }
0x31: {  	[smem:$0x3FB4] =	sst s10  }
0x32: {  	s10 =	sld [smem:$0x3FB2];
	_ =	sdelay $0x3  }
0x33: {  	p0 =	seq.s32 s10, $0x1;
	s10 =	sld [smem:$0x3FB4];
	_ =	sdelay $0x3  }
0x34: {  	[smem:$0x3FB4] =	sst s10  }
0x35: {  	s10 =	sld [smem:$0x3FB3];
	_ =	sdelay $0x3  }
0x36: {  	p1 =	seq.s32 s10, $0x1;
	s10 =	sld [smem:$0x3FB4];
	_ =	sdelay $0x3  }
0x37: {  	[smem:$0x3FB4] =	sst s10  }
0x38: {  	s10 =	sld [smem:$0x3FB5]  }
0x39: {  	_ = 	snop;
	(pc) =	sbr.ind lr, $3  }
0x3a: {  	_ = 	snop  }
0x3b: {  	_ = 	snop  }
0x3c: {  	p2 =	seq.s32 s10, $0x1;
	s10 =	sld [smem:$0x3FB4]  }
0x3d: {  	_ =	shalt  }
0x3e: {  	_ =	shalt  }
0x3f: {  	_ =	shalt  }
0x40: {  	_ =	shalt  }
0x41: {  	_ =	shalt  }
0x42: {  	_ =	shalt  }
0x43: {  	_ =	shalt  }
0x44: {  	_ =	shalt  }
0x45: {  	_ =	shalt  }
0x46: {  	_ =	shalt  }
0x47: {  	_ =	shalt  }
0x48: {  	_ =	shalt  }
0x49: {  	_ =	shalt  }
0x4a: {  	_ =	shalt  }
0x4b: {  	_ =	shalt  }
0x4c: {  	_ =	shalt  }
0x4d: {  	_ =	shalt  }
0x4e: {  	_ =	shalt  }
0x4f: {  	_ =	shalt  }
0x50: {  	_ =	shalt  }
0x51: {  	_ =	shalt  }
0x52: {  	_ =	shalt  }
0x53: {  	_ =	shalt  }
0x54: {  	_ =	shalt  }
0x55: {  	_ =	shalt  }
0x56: {  	_ =	shalt  }
0x57: {  	_ =	shalt  }
0x58: {  	_ =	shalt  }
0x59: {  	_ =	shalt  }
0x5a: {  	_ =	shalt  }
0x5b: {  	_ =	shalt  }
0x5c: {  	_ =	shalt  }
0x5d: {  	_ =	shalt  }
0x5e: {  	_ =	shalt  }
0x5f: {  	_ =	shalt  }
0x60: {  	_ =	shalt  }
0x61: {  	_ =	shalt  }
0x62: {  	_ =	shalt  }
0x63: {  	_ =	shalt  }
0x64: {  	_ =	shalt  }
0x65: {  	_ =	shalt  }
0x66: {  	_ =	shalt  }
0x67: {  	_ =	shalt  }
0x68: {  	_ =	shalt  }
0x69: {  	_ =	shalt  }
0x6a: {  	_ =	shalt  }
0x6b: {  	_ =	shalt  }
0x6c: {  	_ =	shalt  }
0x6d: {  	_ =	shalt  }
0x6e: {  	_ =	shalt  }
0x6f: {  	_ =	shalt  }
0x70: {  	_ =	shalt  }
0x71: {  	_ =	shalt  }
0x72: {  	_ =	shalt  }
0x73: {  	_ =	shalt  }
0x74: {  	_ =	shalt  }
0x75: {  	_ =	shalt  }
0x76: {  	_ =	shalt  }
0x77: {  	_ =	shalt  }
0x78: {  	_ =	shalt  }
0x79: {  	_ =	shalt  }
0x7a: {  	_ =	shalt  }
0x7b: {  	_ =	shalt  }
0x7c: {  	_ =	shalt  }
0x7d: {  	_ =	shalt  }
0x7e: {  	_ =	shalt  }
0x7f: {  	_ =	shalt  }
0x80: {  	_ =	shalt  }
0x81: {  	_ =	shalt  }
0x82: {  	_ =	shalt  }
0x83: {  	_ =	shalt  }
0x84: {  	_ =	shalt  }
0x85: {  	_ =	shalt  }
0x86: {  	_ =	shalt  }
0x87: {  	_ =	shalt  }
.Lfunc_end0:
.L_simem_size_0:
called_computation_lowered:
.L_overlay_start_0:
0x88: {  	s2 =	sld [smem:$0x3FD9]  }
0x89: {  	s3 =	sld [smem:$0x3FFE];
	_ =	sdelay $0x1  }
0x8a: {  	s1 =	srdreg.scid  }
0x8b: {  	s0 =	sand.u32 $0x1, s1  }
0x8c: {  	s17 =	sshll.u32 s0, $0xA;
	s2 =	sadd.s32 s3, s2  }
0x8d: {  	s2 =	sadd.s32 s2, s17  }
0x8e: {  	[smem:$0x3FC0] =	sst s2  }
0x8f: {  	_ = 	snop  }
0x90: {  	s2 =	sld [smem:$0x3FD0];
	(tm) =	ssettm $0x1  }
0x91: {  	s18 =	sld [smem:$0x3FFB];
	_ =	sdelay $0x3  }
0x92: {  	_ =	strace s18  }
0x93: {  	s3 =	sld [smem:$0x3FFC];
	_ =	sdelay $0x3  }
0x94: {  	_ =	strace s3  }
0x95: {  	s3 =	sld [smem:$0x3FFD];
	_ =	sdelay $0x3  }
0x96: {  	_ =	strace s3  }
0x97: {  	_ =	strace $0x8FFFFFFF  }
0x98: {  	s19 =	sld [smem:$0x3FDB];
	_ =	sdelay $0x1  }
0x99: {  	s4 =	simm.s32 $_scs_section_size  }
0x9a: {  	s5 =	simm.s32 $_size__tile_overlayer_lowered;
	s6 =	simm.s32 $_tile_overlayer_lowered  }
0x9b: {  	s22 =	simm.s32 $0x1BFF;
	s21 =	sshll.u32 s6, $0x1;
	s3 =	sadd.s32 s4, s19  }
0x9c: {  	s7 =	simm.s32 $0x0;
	s20 =	sshll.u32 s5, $0x1;
	s5 =	sadd.s32 s21, s3  }
0x9d: {  	[timem:s7], [sflag:s22] =	dma.local [hbm:s5], s20  }
0x9e: {  	_ =	swait.ge [sflag:s22], s20  }
0x9f: {  	s4 =	ssub.s32 $0x0, s20;
	[sflag:s22] =	ssyncset.done $0x0  }
0xa0: {  	[sflag:s22] =	ssyncadd.s32 s4;
	_ =	sdelay $0x1  }
0xa1: {  	s23 =	simm.s32 $0x1B8B  }
0xa2: {  	_ =	swait.ge [sflag:s23], $0x1  }
0xa3: {  	[sflag:s23] =	ssyncset.done $0x0  }
0xa4: {  	s25 =	simm.s32 $0x1B8E;
	s24 =	sld [smem:$0x3FFE];
	[sflag:s23] =	ssyncadd.s32 $0xFFFFFFFF  }
0xa5: {  	s26 =	simm.s32 $execute0_lowered;
	[smem:$0x3FD2] =	sst s25  }
0xa6: {  	s5 =	sshll.u32 s26, $0x1;
	_ =	strace $0x80000046;
	[dreg:$0x1] =	wrdreg $0xFFFFFFFF  }
0xa7: {  	s28 =	simm.s32 $_size_execute0_lowered;
	s3 =	sadd.s32 s3, s5;
	[dreg:$0x0] =	wrdreg $0x0  }
0xa8: {  	s5 =	sshll.u32 s28, $0x1;
	[dreg:$0x2] =	wrdreg s3  }
0xa9: {  	[dreg:$0x3] =	wrdreg s5  }
0xaa: {  	[dreg:$0x4] =	wrdreg $0xC0  }
0xab: {  	_ =	task [dreg:s7], $0x5FFFF  }
0xac: {  	[dreg:$0x1] =	wrdreg $0xFFFFFFFF  }
0xad: {  	[dreg:$0x0] =	wrdreg $0x60  }
0xae: {  	[dreg:$0x2] =	wrdreg s24  }
0xaf: {  	[dreg:$0x3] =	wrdreg s2  }
0xb0: {  	[dreg:$0x4] =	wrdreg $0x9  }
0xb1: {  	_ =	task.clear_ibuf [dreg:s7], $0x5FFFF;
	_ =	strace $0x90000046  }
0xb2: {  	s29 =	simm.s32 $0x9;
	_ =	strace $0x80000048  }
0xb3: {  	_ =	swait.ge [sflag:s29], $0x1  }
0xb4: {  	[sflag:s29] =	ssyncadd.s32 $0xFFFFFFFF  }
0xb5: {  	_ =	strace $0x90000048  }
0xb6: {  	_ =	sfence  }
0xb7: {  	s30 =	sld [smem:$0x0];
	_ =	sdelay $0x2  }
0xb8: {  	s31 =	sshll.u32 s1, $0xD;
	s1 =	sshrl.u32 s1, $0x2  }
0xb9: {  	s3 =	sand.u32 $0x4000, s31;
	s1 =	sadd.s32 s1, s30  }
0xba: {  	s0 =	sor.u32 s3, s0;
	s1 =	sshll.u32 s1, $0x11  }
0xbb: {  	s0 =	sor.u32 s1, s0  }
0xbc: {  	s0 =	sadd.s32 $0x8F2B, s0  }
0xbd: {  	[sflag:s0] =	ssyncadd.remote.s32 $0x1  }
0xbe: {  	_ =	sfence.sel $0xFFFF  }
0xbf: {  	[dreg:$0x0] =	wrdreg $0xFFFFFFFF;
	(pc) =	sbr.abs _section_cstart, $3  }
0xc0: {  	[dreg:$0x1] =	wrdreg $0xFFFFFFFF  }
0xc1: {  	_ =	task.clear_ibuf [dreg:s7], $0x2FFFF;
	_ =	strace $0x9FFFFFFF  }
0xc2: {  	(tm) =	ssettm $0x7FFFFFFF  }
0xc3: {  	_ =	shalt  }
tec
execute0_lowered:
.L_overlay_start_1:
0x0: {  	(tag) =	ssettag $0x1  }
0x1: {  	s0 =	rddreg [dreg:$0x0]  }
0x2: {  	s1 =	rddreg [dreg:$0x1];
	s3 =	srdreg.scid  }
0x3: {  	s2 =	simm.s32 $0x0;
	s5 =	stileid.u32;
	s3 =	sand.u32 $0x1, s3  }
0x4: {  	[smem:$0x7FF] =	sst s2;
	s6 =	sadd.s32 $0x1200, s0;
	s4 =	sshll.u32 s3, $0x4  }
0x5: {  	_ =	strace $0x80000047;
	s3 =	ssub.s32 $0x2, s3;
	s4 =	sor.u32 s5, s4  }
0x6: {  	s21 =	sshrl.u32 s3, $0x1;
	s5 =	sshll.u32 s4, $0x6;
	s4 =	smul.u32 $0x680, s4  }
0x7: {  	[dreg:$0x3] =	wrdreg s6;
	s6 =	simm.s32 $0x0;
	s3 =	ssub.s32 s3, s21  }
0x8: {  	s0 =	sadd.s32 s5, s0;
	s5 =	simm.s32 $0x2;
	s1 =	sadd.s32 s1, s4  }
0x9: {  	s22 =	sadd.s32 $0x4400, s0;
	s23 =	sadd.s32 $0x4C00, s0;
	s24 =	sadd.s32 $0x5400, s0  }
0xa: {  	s25 =	sadd.s32 $0x5C00, s0;
	s26 =	sadd.s32 $0x6400, s0;
	s10 =	sadd.s32 $0x6C00, s0  }
0xb: {  	s11 =	sadd.s32 $0x7400, s0;
	s12 =	sadd.s32 $0x7C00, s0;
	s13 =	sadd.s32 $0x8400, s0  }
0xc: {  	s14 =	sadd.s32 $0x8C00, s0;
	s15 =	sadd.s32 $0x9400, s0;
	s16 =	sadd.s32 $0x9C00, s0  }
0xd: {  	s17 =	sadd.s32 $0xA400, s0;
	s18 =	sadd.s32 $0xAC00, s0;
	[dreg:$0x4] =	wrdreg s1  }
0xe: {  	s19 =	sadd.s32 $0xB400, s0;
	s20 =	sadd.s32 $0xBC00, s0;
	[dreg:$0x5] =	wrdreg s22  }
0xf: {  	s21 =	sadd.s32 $0xC400, s0;
	s28 =	sadd.s32 $0xF400, s0;
	[dreg:$0x6] =	wrdreg s23  }
0x10: {  	s29 =	sadd.s32 $0xFC00, s0;
	s30 =	sadd.s32 $0x10400, s0;
	[dreg:$0x7] =	wrdreg s24  }
0x11: {  	s31 =	sadd.s32 $0x10C00, s0;
	s4 =	simm.s32 $0x1BB00;
	[dreg:$0x8] =	wrdreg s25  }
0x12: {  	[dreg:$0x9] =	wrdreg s26;
	s22 =	sadd.s32 $0xCC00, s0;
	s23 =	sadd.s32 $0xD400, s0  }
0x13: {  	v0 =	vlaneseq.u32;
	s24 =	sadd.s32 $0xDC00, s0;
	s25 =	sadd.s32 $0xE400, s0;
	s26 =	sadd.s32 $0xEC00, s0  }
0x14: {  	v2 =	vimm.s32 $0x0;
	v1 =	vmul.u32 $0xFFFFFFFF, v0;
	s0 =	smax.u32 s3, $0x1;
	s1 =	simm.s32 $0x3;
	s3 =	simm.s32 $0x1  }
.LBB2_1:
0x15: {  	s7 =	rddreg [dreg:$0x3]  }
0x16: {  	[tilespmem:s2], [sflag:$0x1] =	stream.linear.gather [hbm4b:s7+s2], $0x18700, $0x38;
	[tilespmem:$0x1EF00] =	vst v63  }
0x17: {  	s9 =	rddreg [dreg:$0x4];
	s8 =	simm.s32 $0x18700  }
0x18: {  	[tilespmem:s8], [sflag:$0x3] =	stream.linear.gather [hbm4b:s9+s2], $0x3400, $0x38;
	[tilespmem:$0x1EF00] =	vst v63  }
0x19: {  	_ =	swait.ge [sflag:s1], $0x3400  }
0x1a: {  	[sflag:s1] =	ssyncset.done $0x0  }
0x1b: {  	[sflag:s1] =	ssyncadd.s32 $0xFFFFCC00  }
0x1c: {  	_ =	swait.ge [sflag:s3], $0x18700  }
0x1d: {  	[sflag:s3] =	ssyncset.done $0x0  }
0x1e: {  	s7 =	simm.s32 $0x30;
	s8 =	simm.s32 $0x18720;
	[sflag:s3] =	ssyncadd.s32 $0xFFFE7900  }
.LBB2_2:
0x1f: {  	s9 =	sadd.s32 $0xFFFFFFD0, s7  }
0x20: {  	v3 =	vor.u32 s9, v0  }
0x21: {  	v4 =	vmulhi.u32 $0x4EC4EC4F, v3;
	_ =	sdelay $0x1  }
0x22: {  	v4 =	vshrl.u32 v4, $0x3  }
0x23: {  	v5 =	vmov s9;
	v6 =	vmul.u32 $0xFFFFFFE6, v4  }
0x24: {  	v7 =	vsub.s32 v1, v5  }
0x25: {  	v55 =	vld [tilespmem:s8+$0xFFFFFFE0];
	vm0 =	veq.s32 v5, v0;
	vm1 =	vne.s32 v6, v7  }
0x26: {  	vm0 =	vmand vm0, vm1  }
0x27: {  	v56 =	vsel vm0, $0xFFFFFFFF, v2  }
0x28: {  	v4 =	vadd.s32 v56, v4  }
0x29: {  	v6 =	vmul.u32 $0x7FFFE6, v4;
	_ =	sdelay $0x1  }
0x2a: {  	v3 =	vadd.s32 v3, v6  }
0x2b: {  	v3 =	vshll.u32 v3, $0x9  }
0x2c: {  	v5 =	vld.idx.msk [tilespmem:v55+s2+$0x0], $0xffff;
	v3 =	vadd.s32 v4, v3;
	_ =	sdelay $0x4  }
0x2d: {  	s9 =	sadd.s32 $0xFFFFFFE0, s7;
	[tilespmem:v3+s4+$0x0] =	vst.idx.msk $0xffff, v5  }
0x2e: {  	v3 =	vor.u32 s9, v0;
	v57 =	vld [tilespmem:s8+$0xFFFFFFF0]  }
0x2f: {  	v58 =	vmulhi.u32 $0x4EC4EC4F, v3;
	_ =	sdelay $0x1  }
0x30: {  	v5 =	vshrl.u32 v58, $0x3  }
0x31: {  	v59 =	vmul.u32 $0x7FFFE6, v5;
	_ =	sdelay $0x1  }
0x32: {  	v3 =	vadd.s32 v3, v59  }
0x33: {  	v3 =	vshll.u32 v3, $0x9  }
0x34: {  	v3 =	vadd.s32 v5, v3;
	v4 =	vld.idx.msk [tilespmem:v57+s2+$0x0], $0xffff;
	_ =	sdelay $0x4  }
0x35: {  	s9 =	sadd.s32 $0xFFFFFFF0, s7;
	[tilespmem:v3+s4+$0x0] =	vst.idx.msk $0xffff, v4  }
0x36: {  	v3 =	vor.u32 s9, v0;
	v4 =	vld [tilespmem:s8+$0x0]  }
0x37: {  	v60 =	vmulhi.u32 $0x4EC4EC4F, v3;
	_ =	sdelay $0x1  }
0x38: {  	v5 =	vshrl.u32 v60, $0x3  }
0x39: {  	v61 =	vmul.u32 $0x7FFFE6, v5;
	_ =	sdelay $0x1  }
0x3a: {  	v3 =	vadd.s32 v3, v61  }
0x3b: {  	v3 =	vshll.u32 v3, $0x9  }
0x3c: {  	v3 =	vadd.s32 v5, v3;
	v4 =	vld.idx.msk [tilespmem:v4+s2+$0x0], $0xffff;
	_ =	sdelay $0x4  }
0x3d: {  	[tilespmem:v3+s4+$0x0] =	vst.idx.msk $0xffff, v4  }
0x3e: {  	v3 =	vor.u32 s7, v0;
	v4 =	vld [tilespmem:s8+$0x10]  }
0x3f: {  	v62 =	vmulhi.u32 $0x4EC4EC4F, v3;
	_ =	sdelay $0x1  }
0x40: {  	v5 =	vshrl.u32 v62, $0x3  }
0x41: {  	v63 =	vmul.u32 $0x7FFFE6, v5;
	_ =	sdelay $0x1  }
0x42: {  	v3 =	vadd.s32 v3, v63  }
0x43: {  	v3 =	vshll.u32 v3, $0x9  }
0x44: {  	p0 =	sne.s32 s7, $0x33F0;
	v3 =	vadd.s32 v5, v3;
	v4 =	vld.idx.msk [tilespmem:v4+s2+$0x0], $0xffff  }
.Ltmp0:
0x45: {  	_ = 	snop;
	(pc) =	sbr.rel @p0 .LBB2_2-.Ltmp0, $2  }
0x46: {  	_ =	sdelay $0x2  }
0x47: {  	s7 =	sadd.s32 $0x40, s7;
	s8 =	sadd.s32 $0x40, s8;
	[tilespmem:v3+s4+$0x0] =	vst.idx.msk $0xffff, v4  }
0x48: {  	s7 =	rddreg [dreg:$0x5]  }
0x49: {  	[hbm4b:s7+s2] =	stream.linear.scatter [tilespmem:s4], [sflag:$0x2], $0x200, $0x38;
	[tilespmem:$0x1EF00] =	vst v63  }
0x4a: {  	s9 =	rddreg [dreg:$0x6];
	s8 =	simm.s32 $0x1BD00  }
0x4b: {  	[hbm4b:s9+s2] =	stream.linear.scatter [tilespmem:s8], [sflag:$0x2], $0x200, $0x38;
	[tilespmem:$0x1EF00] =	vst v63  }
0x4c: {  	s8 =	rddreg [dreg:$0x7];
	s9 =	simm.s32 $0x1BF00  }
0x4d: {  	[hbm4b:s8+s2] =	stream.linear.scatter [tilespmem:s9], [sflag:$0x2], $0x200, $0x38;
	[tilespmem:$0x1EF00] =	vst v63  }
0x4e: {  	s8 =	rddreg [dreg:$0x8];
	s9 =	simm.s32 $0x1C100  }
0x4f: {  	[hbm4b:s8+s2] =	stream.linear.scatter [tilespmem:s9], [sflag:$0x2], $0x200, $0x38;
	[tilespmem:$0x1EF00] =	vst v63  }
0x50: {  	s8 =	rddreg [dreg:$0x9];
	s9 =	simm.s32 $0x1C300  }
0x51: {  	[hbm4b:s8+s2] =	stream.linear.scatter [tilespmem:s9], [sflag:$0x2], $0x200, $0x38;
	[tilespmem:$0x1EF00] =	vst v63  }
0x52: {  	s9 =	simm.s32 $0x1C500  }
0x53: {  	[hbm4b:s10+s2] =	stream.linear.scatter [tilespmem:s9], [sflag:$0x2], $0x200, $0x38;
	[tilespmem:$0x1EF00] =	vst v63  }
0x54: {  	s8 =	simm.s32 $0x1C700  }
0x55: {  	[hbm4b:s11+s2] =	stream.linear.scatter [tilespmem:s8], [sflag:$0x2], $0x200, $0x38;
	[tilespmem:$0x1EF00] =	vst v63  }
0x56: {  	s9 =	simm.s32 $0x1C900  }
0x57: {  	[hbm4b:s12+s2] =	stream.linear.scatter [tilespmem:s9], [sflag:$0x2], $0x200, $0x38;
	[tilespmem:$0x1EF00] =	vst v63  }
0x58: {  	s8 =	simm.s32 $0x1CB00  }
0x59: {  	[hbm4b:s13+s2] =	stream.linear.scatter [tilespmem:s8], [sflag:$0x2], $0x200, $0x38;
	[tilespmem:$0x1EF00] =	vst v63  }
0x5a: {  	s9 =	simm.s32 $0x1CD00  }
0x5b: {  	[hbm4b:s14+s2] =	stream.linear.scatter [tilespmem:s9], [sflag:$0x2], $0x200, $0x38;
	[tilespmem:$0x1EF00] =	vst v63  }
0x5c: {  	s8 =	simm.s32 $0x1CF00  }
0x5d: {  	[hbm4b:s15+s2] =	stream.linear.scatter [tilespmem:s8], [sflag:$0x2], $0x200, $0x38;
	[tilespmem:$0x1EF00] =	vst v63  }
0x5e: {  	s9 =	simm.s32 $0x1D100  }
0x5f: {  	[hbm4b:s16+s2] =	stream.linear.scatter [tilespmem:s9], [sflag:$0x2], $0x200, $0x38;
	[tilespmem:$0x1EF00] =	vst v63  }
0x60: {  	s8 =	simm.s32 $0x1D300  }
0x61: {  	[hbm4b:s17+s2] =	stream.linear.scatter [tilespmem:s8], [sflag:$0x2], $0x200, $0x38;
	[tilespmem:$0x1EF00] =	vst v63  }
0x62: {  	s9 =	simm.s32 $0x1D500  }
0x63: {  	[hbm4b:s18+s2] =	stream.linear.scatter [tilespmem:s9], [sflag:$0x2], $0x200, $0x38;
	[tilespmem:$0x1EF00] =	vst v63  }
0x64: {  	s8 =	simm.s32 $0x1D700  }
0x65: {  	[hbm4b:s19+s2] =	stream.linear.scatter [tilespmem:s8], [sflag:$0x2], $0x200, $0x38;
	[tilespmem:$0x1EF00] =	vst v63  }
0x66: {  	s9 =	simm.s32 $0x1D900  }
0x67: {  	[hbm4b:s20+s2] =	stream.linear.scatter [tilespmem:s9], [sflag:$0x2], $0x200, $0x38;
	[tilespmem:$0x1EF00] =	vst v63  }
0x68: {  	s8 =	simm.s32 $0x1DB00  }
0x69: {  	[hbm4b:s21+s2] =	stream.linear.scatter [tilespmem:s8], [sflag:$0x2], $0x200, $0x38;
	[tilespmem:$0x1EF00] =	vst v63  }
0x6a: {  	s9 =	simm.s32 $0x1DD00  }
0x6b: {  	[hbm4b:s22+s2] =	stream.linear.scatter [tilespmem:s9], [sflag:$0x2], $0x200, $0x38;
	[tilespmem:$0x1EF00] =	vst v63  }
0x6c: {  	s8 =	simm.s32 $0x1DF00  }
0x6d: {  	[hbm4b:s23+s2] =	stream.linear.scatter [tilespmem:s8], [sflag:$0x2], $0x200, $0x38;
	[tilespmem:$0x1EF00] =	vst v63  }
0x6e: {  	s9 =	simm.s32 $0x1E100  }
0x6f: {  	[hbm4b:s24+s2] =	stream.linear.scatter [tilespmem:s9], [sflag:$0x2], $0x200, $0x38;
	[tilespmem:$0x1EF00] =	vst v63  }
0x70: {  	s8 =	simm.s32 $0x1E300  }
0x71: {  	[hbm4b:s25+s2] =	stream.linear.scatter [tilespmem:s8], [sflag:$0x2], $0x200, $0x38;
	[tilespmem:$0x1EF00] =	vst v63  }
0x72: {  	s9 =	simm.s32 $0x1E500  }
0x73: {  	[hbm4b:s26+s2] =	stream.linear.scatter [tilespmem:s9], [sflag:$0x2], $0x200, $0x38;
	[tilespmem:$0x1EF00] =	vst v63  }
0x74: {  	s8 =	simm.s32 $0x1E700  }
0x75: {  	[hbm4b:s28+s2] =	stream.linear.scatter [tilespmem:s8], [sflag:$0x2], $0x200, $0x38;
	[tilespmem:$0x1EF00] =	vst v63  }
0x76: {  	s9 =	simm.s32 $0x1E900  }
0x77: {  	[hbm4b:s29+s2] =	stream.linear.scatter [tilespmem:s9], [sflag:$0x2], $0x200, $0x38;
	[tilespmem:$0x1EF00] =	vst v63  }
0x78: {  	s8 =	simm.s32 $0x1EB00  }
0x79: {  	[hbm4b:s30+s2] =	stream.linear.scatter [tilespmem:s8], [sflag:$0x2], $0x200, $0x38;
	[tilespmem:$0x1EF00] =	vst v63  }
0x7a: {  	s9 =	simm.s32 $0x1ED00  }
0x7b: {  	[hbm4b:s31+s2] =	stream.linear.scatter [tilespmem:s9], [sflag:$0x2], $0x200, $0x38;
	[tilespmem:$0x1EF00] =	vst v63  }
0x7c: {  	_ =	swait.ge [sflag:s5], $0x200  }
0x7d: {  	[sflag:s5] =	ssyncset.done $0x0  }
0x7e: {  	[sflag:s5] =	ssyncadd.s32 $0xFFFFFE00  }
0x7f: {  	_ =	swait.ge [sflag:s5], $0x200  }
0x80: {  	[sflag:s5] =	ssyncset.done $0x0  }
0x81: {  	[sflag:s5] =	ssyncadd.s32 $0xFFFFFE00  }
0x82: {  	_ =	swait.ge [sflag:s5], $0x200  }
0x83: {  	[sflag:s5] =	ssyncset.done $0x0  }
0x84: {  	[sflag:s5] =	ssyncadd.s32 $0xFFFFFE00  }
0x85: {  	_ =	swait.ge [sflag:s5], $0x200  }
0x86: {  	[sflag:s5] =	ssyncset.done $0x0  }
0x87: {  	[sflag:s5] =	ssyncadd.s32 $0xFFFFFE00  }
0x88: {  	_ =	swait.ge [sflag:s5], $0x200  }
0x89: {  	[sflag:s5] =	ssyncset.done $0x0  }
0x8a: {  	[sflag:s5] =	ssyncadd.s32 $0xFFFFFE00  }
0x8b: {  	_ =	swait.ge [sflag:s5], $0x200  }
0x8c: {  	[sflag:s5] =	ssyncset.done $0x0  }
0x8d: {  	[sflag:s5] =	ssyncadd.s32 $0xFFFFFE00  }
0x8e: {  	_ =	swait.ge [sflag:s5], $0x200  }
0x8f: {  	[sflag:s5] =	ssyncset.done $0x0  }
0x90: {  	[sflag:s5] =	ssyncadd.s32 $0xFFFFFE00  }
0x91: {  	_ =	swait.ge [sflag:s5], $0x200  }
0x92: {  	[sflag:s5] =	ssyncset.done $0x0  }
0x93: {  	[sflag:s5] =	ssyncadd.s32 $0xFFFFFE00  }
0x94: {  	_ =	swait.ge [sflag:s5], $0x200  }
0x95: {  	[sflag:s5] =	ssyncset.done $0x0  }
0x96: {  	[sflag:s5] =	ssyncadd.s32 $0xFFFFFE00  }
0x97: {  	_ =	swait.ge [sflag:s5], $0x200  }
0x98: {  	[sflag:s5] =	ssyncset.done $0x0  }
0x99: {  	[sflag:s5] =	ssyncadd.s32 $0xFFFFFE00  }
0x9a: {  	_ =	swait.ge [sflag:s5], $0x200  }
0x9b: {  	[sflag:s5] =	ssyncset.done $0x0  }
0x9c: {  	[sflag:s5] =	ssyncadd.s32 $0xFFFFFE00  }
0x9d: {  	_ =	swait.ge [sflag:s5], $0x200  }
0x9e: {  	[sflag:s5] =	ssyncset.done $0x0  }
0x9f: {  	[sflag:s5] =	ssyncadd.s32 $0xFFFFFE00  }
0xa0: {  	_ =	swait.ge [sflag:s5], $0x200  }
0xa1: {  	[sflag:s5] =	ssyncset.done $0x0  }
0xa2: {  	[sflag:s5] =	ssyncadd.s32 $0xFFFFFE00  }
0xa3: {  	_ =	swait.ge [sflag:s5], $0x200  }
0xa4: {  	[sflag:s5] =	ssyncset.done $0x0  }
0xa5: {  	[sflag:s5] =	ssyncadd.s32 $0xFFFFFE00  }
0xa6: {  	_ =	swait.ge [sflag:s5], $0x200  }
0xa7: {  	[sflag:s5] =	ssyncset.done $0x0  }
0xa8: {  	[sflag:s5] =	ssyncadd.s32 $0xFFFFFE00  }
0xa9: {  	_ =	swait.ge [sflag:s5], $0x200  }
0xaa: {  	[sflag:s5] =	ssyncset.done $0x0  }
0xab: {  	[sflag:s5] =	ssyncadd.s32 $0xFFFFFE00  }
0xac: {  	_ =	swait.ge [sflag:s5], $0x200  }
0xad: {  	[sflag:s5] =	ssyncset.done $0x0  }
0xae: {  	[sflag:s5] =	ssyncadd.s32 $0xFFFFFE00  }
0xaf: {  	_ =	swait.ge [sflag:s5], $0x200  }
0xb0: {  	[sflag:s5] =	ssyncset.done $0x0  }
0xb1: {  	[sflag:s5] =	ssyncadd.s32 $0xFFFFFE00  }
0xb2: {  	_ =	swait.ge [sflag:s5], $0x200  }
0xb3: {  	[sflag:s5] =	ssyncset.done $0x0  }
0xb4: {  	[sflag:s5] =	ssyncadd.s32 $0xFFFFFE00  }
0xb5: {  	_ =	swait.ge [sflag:s5], $0x200  }
0xb6: {  	[sflag:s5] =	ssyncset.done $0x0  }
0xb7: {  	[sflag:s5] =	ssyncadd.s32 $0xFFFFFE00  }
0xb8: {  	_ =	swait.ge [sflag:s5], $0x200  }
0xb9: {  	[sflag:s5] =	ssyncset.done $0x0  }
0xba: {  	[sflag:s5] =	ssyncadd.s32 $0xFFFFFE00  }
0xbb: {  	_ =	swait.ge [sflag:s5], $0x200  }
0xbc: {  	[sflag:s5] =	ssyncset.done $0x0  }
0xbd: {  	[sflag:s5] =	ssyncadd.s32 $0xFFFFFE00  }
0xbe: {  	_ =	swait.ge [sflag:s5], $0x200  }
0xbf: {  	[sflag:s5] =	ssyncset.done $0x0  }
0xc0: {  	[sflag:s5] =	ssyncadd.s32 $0xFFFFFE00  }
0xc1: {  	_ =	swait.ge [sflag:s5], $0x200  }
0xc2: {  	[sflag:s5] =	ssyncset.done $0x0  }
0xc3: {  	s6 =	sadd.s32 $0x1, s6;
	[sflag:s5] =	ssyncadd.s32 $0xFFFFFE00  }
0xc4: {  	p0 =	sne.s32 s6, s0;
	_ =	swait.ge [sflag:s5], $0x200  }
.Ltmp1:
0xc5: {  	[sflag:s5] =	ssyncset.done $0x0;
	(pc) =	sbr.rel @p0 .LBB2_1-.Ltmp1, $4  }
0xc6: {  	[sflag:s5] =	ssyncadd.s32 $0xFFFFFE00  }
0xc7: {  	_ =	swait.ge [sflag:s5], $0x200  }
0xc8: {  	[sflag:s5] =	ssyncset.done $0x0  }
0xc9: {  	[sflag:s5] =	ssyncadd.s32 $0xFFFFFE00  }
0xca: {  	_ =	sfence.sel $0x180000  }
0xcb: {  	[bflag:$0x0] =	sbarrier.arrive $0xFFFF  }
0xcc: {  	_ =	strace $0x90000047  }
0xcd: {  	s0 =	stileid.u32;
	[bflag:$0x2] =	sbarrier.arrive $0xFFFF  }
0xce: {  	p0 =	sne.s32 s0, $0x0;
	s0 =	rddreg [dreg:$0x2]  }
0xcf: {  	s0 =	sadd.s32 @!p0 $0x100000, s0  }
0xd0: {  	[sflag:s0] =	ssyncadd.tile.s32 @!p0 $0x1;
	_ =	shalt  }
.Lfunc_end2:
_tile_overlayer_lowered:
.L_overlay_start_2:
0xd1: {  	(tag) =	ssettag $0x2  }
0xd2: {  	s0 =	rddreg [dreg:$0x0];
	s2 =	stileid.u32  }
0xd3: {  	s1 =	rddreg [dreg:$0x1];
	p0 =	sne.s32 s2, $0x0  }
0xd4: {  	s3 =	rddreg [dreg:$0x2];
	[bflag:$0x3] =	sbarrier.arrive $0xFFFF;
	s2 =	simm.s32 @!p0 $0x1C03  }
0xd5: {  	[timem:s3], [sflag:s2] =	dma.local @!p0 [hbm:s0], s1  }
0xd6: {  	s0 =	simm.s32 @!p0 $0x3  }
0xd7: {  	_ =	swait.ge @!p0 [sflag:s0], s1  }
0xd8: {  	s1 =	ssub.s32 @!p0 $0x0, s1;
	[sflag:s0] =	ssyncset.done @!p0 $0x0  }
0xd9: {  	[sflag:s0] =	ssyncadd.s32 @!p0 s1  }
0xda: {  	[bflag:$0x3] =	sbarrier.arrive $0xFFFF  }
0xdb: {  	_ =	shalt  }

</sc_bundles>
